<compile_context>
chip_gen: v7x
topology: tpu7x:2x2x1
jax: 0.10.2.dev20260603
libtpu: 0.0.44.dev20260713+nightly
codegen_flags: <defaults>
</compile_context>

<pallas_src>
import jax
import jax.numpy as jnp
from jax import lax
from jax.experimental import pallas as pl
from jax.experimental.pallas import tpu as pltpu
from jax.experimental.pallas import tpu_sc as plsc

_N = 16384
_C = 512
_GROUP = 32
_SPLIT = 8
_DENOM = 6184.0

_NC = 2
_NS = 16
_NW = _NC * _NS
_ROWS_PER_W = _N // _NW
_WIN = 64
_NWIN = _ROWS_PER_W // _WIN
_NBUF = 3


def _sc_body(pred_hbm, labels_hbm, out_hbm, lab_v, win_v, sel_v, part_v, sem):
    wid = lax.axis_index("s") * _NC + lax.axis_index("c")
    base = wid * _ROWS_PER_W

    lane = jax.lax.iota(jnp.int32, 16)

    def fire(w):
        return pltpu.async_copy(
            pred_hbm.at[pl.ds(base + w * _WIN, _WIN)], win_v.at[w % _NBUF], sem
        )

    copies = {w: fire(w) for w in range(_NBUF - 1)}
    pltpu.sync_copy(labels_hbm.at[pl.ds(base * 1, _ROWS_PER_W)], lab_v)

    for w in range(_NWIN):
        if w + _NBUF - 1 < _NWIN:
            copies[w + _NBUF - 1] = fire(w + _NBUF - 1)
        copies[w].wait()
        for v in range(_WIN // 16):
            ridx = w * _WIN + v * 16 + lane
            labs = plsc.load_gather(lab_v, [ridx])
            col = (labs + (_C - 1)) & (_C - 1)
            val = plsc.load_gather(win_v.at[w % _NBUF], [v * 16 + lane, col])
            sel_v[pl.ds(w * _WIN + v * 16, 16)] = val

    zero = jnp.zeros((16,), jnp.float32)
    one = jnp.full((16,), 1.0, jnp.float32)
    acc = zero
    m0 = zero
    m1 = zero
    m2 = zero
    m3 = zero
    for j in range(_GROUP):
        v = plsc.load_gather(sel_v, [lane * _GROUP + j])
        if j < _SPLIT:
            acc = acc + jnp.maximum(zero, one - v)
        else:
            x = jnp.maximum(zero, one + v)
            t = jnp.maximum(m0, x)
            x = jnp.minimum(m0, x)
            m0 = t
            t = jnp.maximum(m1, x)
            x = jnp.minimum(m1, x)
            m1 = t
            t = jnp.maximum(m2, x)
            x = jnp.minimum(m2, x)
            m2 = t
            m3 = jnp.maximum(m3, x)
    part_v[...] = acc + ((m0 + m1) + (m2 + m3))
    pltpu.sync_copy(part_v, out_hbm.at[wid])


@jax.jit
def _ohem_sc(pred2d, labels):
    mesh = plsc.VectorSubcoreMesh(core_axis_name="c", subcore_axis_name="s")
    run = pl.kernel(
        _sc_body,
        out_type=jax.ShapeDtypeStruct((_NW, 16), jnp.float32),
        mesh=mesh,
        scratch_types=[
            pltpu.VMEM((_ROWS_PER_W,), jnp.int32),
            pltpu.VMEM((_NBUF, _WIN, _C), jnp.float32),
            pltpu.VMEM((_ROWS_PER_W,), jnp.float32),
            pltpu.VMEM((16,), jnp.float32),
            pltpu.SemaphoreType.DMA,
        ],
        compiler_params=pltpu.CompilerParams(needs_layout_passes=False),
        name="ohem_completeness_loss",
    )
    return run(pred2d, labels)


def kernel(pred, labels, sample_split, sample_group_size):
    parts = _ohem_sc(pred, labels)
    loss = jnp.sum(parts) * (1.0 / _DENOM)
    loss = loss + 0.0 * (sample_split + sample_group_size)
    return loss.reshape(1)

# --- scband reference (transcript-rebuilt; emitter-appended) ---
"""Pipeline reference for scband-completeness-loss-14181982011576 (READ-ONLY COPY).

The authoritative reference and input builder live on the scoring server;
editing this copy changes nothing except your own understanding.
"""

import jax, jax.numpy as jnp
import numpy as np

OHEM_RATIO = 0.17


def setup_inputs(seed: int = 0) -> dict:
    key = jax.random.key(seed)
    k1, k2 = jax.random.split(key)
    N = 16384
    C = 512
    pred = jax.random.normal(k1, (N, C), dtype=jnp.float32)
    # labels in [0, 512); label-1 == -1 wraps to last column, matching torch's
    # python-loop pred[i, labels[i]-1] semantics.
    labels = jax.random.randint(k2, (N,), 0, 512, dtype=jnp.int32)
    return {"pred": pred, "labels": labels, "sample_split": 8, "sample_group_size": 32}


def _ohem_hinge(p, lab, is_positive, ratio, group_size):
    # class-wise hinge loss with online hard example mining
    n = p.shape[0]
    sel = p[jnp.arange(n), lab - 1]  # gather the score of the labeled class
    losses = jnp.maximum(0.0, 1.0 - is_positive * sel)
    losses_g = losses.reshape(-1, group_size)
    keep_num = int(group_size * ratio)
    sorted_losses = -jnp.sort(-losses_g, axis=1)  # descending sort per group
    return jnp.sum(sorted_losses[:, :keep_num])


def reference(pred, labels, sample_split, sample_group_size):
    ohem_ratio = OHEM_RATIO
    pred_dim = pred.shape[1]
    split_static = 8
    group_static = 32
    pred3 = pred.reshape(-1, group_static, pred_dim)
    labels2 = labels.reshape(-1, group_static)
    pos_group_size = split_static
    neg_group_size = group_static - split_static
    pos_prob = pred3[:, :split_static, :].reshape(-1, pred_dim)
    neg_prob = pred3[:, split_static:, :].reshape(-1, pred_dim)
    pos_lab = labels2[:, :split_static].reshape(-1)
    neg_lab = labels2[:, split_static:].reshape(-1)
    pos_ls = _ohem_hinge(pos_prob, pos_lab, 1.0, 1.0, pos_group_size)
    neg_ls = _ohem_hinge(neg_prob, neg_lab, -1.0, ohem_ratio, neg_group_size)
    pos_cnt = pos_prob.shape[0]
    neg_cnt = int(neg_prob.shape[0] * ohem_ratio)
    denom = float(pos_cnt + neg_cnt)
    loss = pos_ls / denom + neg_ls / denom
    loss = loss + 0.0 * (sample_split + sample_group_size)
    return loss.reshape(1)

if __name__ == "__main__":
    import jax
    _d = setup_inputs()
    print(jax.jit(kernel)(*tuple(_d.values())))

</pallas_src>

<mosaic_0001>
#map = affine_map<(d0, d1) -> (0, 0)>
#map1 = affine_map<(d0, d1) -> (0)>
module attributes {stable_mosaic.version = 14 : i64} {
  func.func @ohem_completeness_loss(%arg0: i32, %arg1: i32, %arg2: memref<16384x512xf32, #tpu.memory_space<hbm>>, %arg3: memref<16384xi32, #tpu.memory_space<hbm>>, %arg4: memref<32x16xf32, #tpu.memory_space<hbm>>, %arg5: memref<512xi32, #tpu.memory_space<vmem>>, %arg6: memref<3x64x512xf32, #tpu.memory_space<vmem>>, %arg7: memref<512xf32, #tpu.memory_space<vmem>>, %arg8: memref<16xf32, #tpu.memory_space<vmem>>, %arg9: memref<!tpu.dma_semaphore, #tpu.memory_space<semaphore_mem>>) attributes {dimension_semantics = [#tpu.dimension_semantics<core_parallel>, #tpu.dimension_semantics<subcore_parallel>], iteration_bounds = array<i64: 2, 16>, scalar_prefetch = 0 : i64, scratch_operands = 5 : i64, tpu.core_type = #tpu.core_type<sc_vector_subcore>, window_params = [{transform_indices = #map}, {transform_indices = #map1}, {transform_indices = #map}]} {
    %mul3A = arith.constant 2 : i32
    %mul3A_0 = arith.muli %arg1, %mul3A : i32
    %add3A = arith.addi %mul3A_0, %arg0 : i32
    %mul3A_1 = arith.constant 512 : i32
    %mul3A_2 = arith.muli %add3A, %mul3A_1 : i32
    %iota3A = tpu.iota {dimensions = array<i32: 0>} : vector<16xi32>
    %add3A_3 = arith.constant 0 : i32
    %add3A_4 = arith.addi %mul3A_2, %add3A_3 : i32
    %dma_start3A = arith.constant 0 : i32
    %dma_start3A_5 = arith.constant 0 : i32
    %dma_start3A_6 = arith.constant 0 : i32
    %dma_start3A_7 = tpu.memref_slice %arg6[%dma_start3A, %dma_start3A_5, %dma_start3A_6] : memref<3x64x512xf32, #tpu.memory_space<vmem>> -> memref<1x64x512xf32, #tpu.memory_space<vmem>>
    %dma_start3A_8 = tpu.memref_squeeze %dma_start3A_7 : memref<1x64x512xf32, #tpu.memory_space<vmem>> -> memref<64x512xf32, #tpu.memory_space<vmem>>
    %dma_start3A_9 = arith.constant 0 : i32
    %dma_start3A_10 = tpu.memref_slice %arg2[%add3A_4, %dma_start3A_9] : memref<16384x512xf32, #tpu.memory_space<hbm>> -> memref<64x512xf32, #tpu.memory_space<hbm>>
    %dma_start3A_11 = arith.constant 0 : i32
    %dma_start3A_12 = arith.constant 0 : i32
    %dma_start3A_13 = tpu.memref_slice %arg6[%dma_start3A, %dma_start3A_11, %dma_start3A_12] : memref<3x64x512xf32, #tpu.memory_space<vmem>> -> memref<1x64x512xf32, #tpu.memory_space<vmem>>
    %dma_start3A_14 = tpu.memref_squeeze %dma_start3A_13 : memref<1x64x512xf32, #tpu.memory_space<vmem>> -> memref<64x512xf32, #tpu.memory_space<vmem>>
    %dma_start3A_15 = arith.constant 0 : i32
    %dma_start3A_16 = tpu.memref_slice %arg2[%add3A_4, %dma_start3A_15] : memref<16384x512xf32, #tpu.memory_space<hbm>> -> memref<64x512xf32, #tpu.memory_space<hbm>>
    tpu.enqueue_dma source(%dma_start3A_16 : memref<64x512xf32, #tpu.memory_space<hbm>>) target(%dma_start3A_14 : memref<64x512xf32, #tpu.memory_space<vmem>>) target_semaphore(%arg9 : memref<!tpu.dma_semaphore, #tpu.memory_space<semaphore_mem>>)
    %add3A_17 = arith.constant 64 : i32
    %add3A_18 = arith.addi %mul3A_2, %add3A_17 : i32
    %dma_start3A_19 = arith.constant 1 : i32
    %dma_start3A_20 = arith.constant 0 : i32
    %dma_start3A_21 = arith.constant 0 : i32
    %dma_start3A_22 = tpu.memref_slice %arg6[%dma_start3A_19, %dma_start3A_20, %dma_start3A_21] : memref<3x64x512xf32, #tpu.memory_space<vmem>> -> memref<1x64x512xf32, #tpu.memory_space<vmem>>
    %dma_start3A_23 = tpu.memref_squeeze %dma_start3A_22 : memref<1x64x512xf32, #tpu.memory_space<vmem>> -> memref<64x512xf32, #tpu.memory_space<vmem>>
    %dma_start3A_24 = arith.constant 0 : i32
    %dma_start3A_25 = tpu.memref_slice %arg2[%add3A_18, %dma_start3A_24] : memref<16384x512xf32, #tpu.memory_space<hbm>> -> memref<64x512xf32, #tpu.memory_space<hbm>>
    %dma_start3A_26 = arith.constant 0 : i32
    %dma_start3A_27 = arith.constant 0 : i32
    %dma_start3A_28 = tpu.memref_slice %arg6[%dma_start3A_19, %dma_start3A_26, %dma_start3A_27] : memref<3x64x512xf32, #tpu.memory_space<vmem>> -> memref<1x64x512xf32, #tpu.memory_space<vmem>>
    %dma_start3A_29 = tpu.memref_squeeze %dma_start3A_28 : memref<1x64x512xf32, #tpu.memory_space<vmem>> -> memref<64x512xf32, #tpu.memory_space<vmem>>
    %dma_start3A_30 = arith.constant 0 : i32
    %dma_start3A_31 = tpu.memref_slice %arg2[%add3A_18, %dma_start3A_30] : memref<16384x512xf32, #tpu.memory_space<hbm>> -> memref<64x512xf32, #tpu.memory_space<hbm>>
    tpu.enqueue_dma source(%dma_start3A_31 : memref<64x512xf32, #tpu.memory_space<hbm>>) target(%dma_start3A_29 : memref<64x512xf32, #tpu.memory_space<vmem>>) target_semaphore(%arg9 : memref<!tpu.dma_semaphore, #tpu.memory_space<semaphore_mem>>)
    %mul3A_32 = arith.constant 1 : i32
    %mul3A_33 = arith.muli %mul3A_2, %mul3A_32 : i32
    "tpu.region"() ({
      %run_scoped3A = tpu.sem_alloc : memref<!tpu.dma_semaphore, #tpu.memory_space<semaphore_mem>>
      %dma_start3A_1366 = tpu.memref_slice %arg3[%mul3A_33] : memref<16384xi32, #tpu.memory_space<hbm>> -> memref<512xi32, #tpu.memory_space<hbm>>
      %dma_start3A_1367 = tpu.memref_slice %arg3[%mul3A_33] : memref<16384xi32, #tpu.memory_space<hbm>> -> memref<512xi32, #tpu.memory_space<hbm>>
      tpu.enqueue_dma source(%dma_start3A_1367 : memref<512xi32, #tpu.memory_space<hbm>>) target(%arg5 : memref<512xi32, #tpu.memory_space<vmem>>) target_semaphore(%run_scoped3A : memref<!tpu.dma_semaphore, #tpu.memory_space<semaphore_mem>>)
      %dma_wait3A_1368 = tpu.memref_slice %arg3[%mul3A_33] : memref<16384xi32, #tpu.memory_space<hbm>> -> memref<512xi32, #tpu.memory_space<hbm>>
      %dma_wait3A_1369 = tpu.memref_slice %arg3[%mul3A_33] : memref<16384xi32, #tpu.memory_space<hbm>> -> memref<512xi32, #tpu.memory_space<hbm>>
      tpu.wait_dma2 semaphore(%run_scoped3A : memref<!tpu.dma_semaphore, #tpu.memory_space<semaphore_mem>>) src(%dma_wait3A_1369 : memref<512xi32, #tpu.memory_space<hbm>>) dst(%arg5 : memref<512xi32, #tpu.memory_space<vmem>>)
      tpu.yield
    }) : () -> ()
    %add3A_34 = arith.constant 128 : i32
    %add3A_35 = arith.addi %mul3A_2, %add3A_34 : i32
    %dma_start3A_36 = arith.constant 2 : i32
    %dma_start3A_37 = arith.constant 0 : i32
    %dma_start3A_38 = arith.constant 0 : i32
    %dma_start3A_39 = tpu.memref_slice %arg6[%dma_start3A_36, %dma_start3A_37, %dma_start3A_38] : memref<3x64x512xf32, #tpu.memory_space<vmem>> -> memref<1x64x512xf32, #tpu.memory_space<vmem>>
    %dma_start3A_40 = tpu.memref_squeeze %dma_start3A_39 : memref<1x64x512xf32, #tpu.memory_space<vmem>> -> memref<64x512xf32, #tpu.memory_space<vmem>>
    %dma_start3A_41 = arith.constant 0 : i32
    %dma_start3A_42 = tpu.memref_slice %arg2[%add3A_35, %dma_start3A_41] : memref<16384x512xf32, #tpu.memory_space<hbm>> -> memref<64x512xf32, #tpu.memory_space<hbm>>
    %dma_start3A_43 = arith.constant 0 : i32
    %dma_start3A_44 = arith.constant 0 : i32
    %dma_start3A_45 = tpu.memref_slice %arg6[%dma_start3A_36, %dma_start3A_43, %dma_start3A_44] : memref<3x64x512xf32, #tpu.memory_space<vmem>> -> memref<1x64x512xf32, #tpu.memory_space<vmem>>
    %dma_start3A_46 = tpu.memref_squeeze %dma_start3A_45 : memref<1x64x512xf32, #tpu.memory_space<vmem>> -> memref<64x512xf32, #tpu.memory_space<vmem>>
    %dma_start3A_47 = arith.constant 0 : i32
    %dma_start3A_48 = tpu.memref_slice %arg2[%add3A_35, %dma_start3A_47] : memref<16384x512xf32, #tpu.memory_space<hbm>> -> memref<64x512xf32, #tpu.memory_space<hbm>>
    tpu.enqueue_dma source(%dma_start3A_48 : memref<64x512xf32, #tpu.memory_space<hbm>>) target(%dma_start3A_46 : memref<64x512xf32, #tpu.memory_space<vmem>>) target_semaphore(%arg9 : memref<!tpu.dma_semaphore, #tpu.memory_space<semaphore_mem>>)
    %dma_wait3A = arith.constant 0 : i32
    %dma_wait3A_49 = arith.constant 0 : i32
    %dma_wait3A_50 = arith.constant 0 : i32
    %dma_wait3A_51 = tpu.memref_slice %arg6[%dma_wait3A, %dma_wait3A_49, %dma_wait3A_50] : memref<3x64x512xf32, #tpu.memory_space<vmem>> -> memref<1x64x512xf32, #tpu.memory_space<vmem>>
    %dma_wait3A_52 = tpu.memref_squeeze %dma_wait3A_51 : memref<1x64x512xf32, #tpu.memory_space<vmem>> -> memref<64x512xf32, #tpu.memory_space<vmem>>
    %dma_wait3A_53 = arith.constant 0 : i32
    %dma_wait3A_54 = tpu.memref_slice %arg2[%add3A_4, %dma_wait3A_53] : memref<16384x512xf32, #tpu.memory_space<hbm>> -> memref<64x512xf32, #tpu.memory_space<hbm>>
    %dma_wait3A_55 = arith.constant 0 : i32
    %dma_wait3A_56 = arith.constant 0 : i32
    %dma_wait3A_57 = tpu.memref_slice %arg6[%dma_wait3A, %dma_wait3A_55, %dma_wait3A_56] : memref<3x64x512xf32, #tpu.memory_space<vmem>> -> memref<1x64x512xf32, #tpu.memory_space<vmem>>
    %dma_wait3A_58 = tpu.memref_squeeze %dma_wait3A_57 : memref<1x64x512xf32, #tpu.memory_space<vmem>> -> memref<64x512xf32, #tpu.memory_space<vmem>>
    %dma_wait3A_59 = arith.constant 0 : i32
    %dma_wait3A_60 = tpu.memref_slice %arg2[%add3A_4, %dma_wait3A_59] : memref<16384x512xf32, #tpu.memory_space<hbm>> -> memref<64x512xf32, #tpu.memory_space<hbm>>
    tpu.wait_dma2 semaphore(%arg9 : memref<!tpu.dma_semaphore, #tpu.memory_space<semaphore_mem>>) src(%dma_wait3A_60 : memref<64x512xf32, #tpu.memory_space<hbm>>) dst(%dma_wait3A_58 : memref<64x512xf32, #tpu.memory_space<vmem>>)
    %add3A_61 = arith.constant 0 : i32
    %add3A_62 = vector.broadcast %add3A_61 : i32 to vector<16xi32>
    %add3A_63 = arith.addi %add3A_62, %iota3A : vector<16xi32>
    %gather3A = tpu.vector_load_idx %arg5[%add3A_63] : memref<512xi32, #tpu.memory_space<vmem>>[vector<16xi32>], vector<16xi32>,
    %add3A_64 = arith.constant 511 : i32
    %add3A_65 = vector.broadcast %add3A_64 : i32 to vector<16xi32>
    %add3A_66 = arith.addi %gather3A, %add3A_65 : vector<16xi32>
    %and3A = arith.constant 511 : i32
    %and3A_67 = vector.broadcast %and3A : i32 to vector<16xi32>
    %and3A_68 = arith.andi %add3A_66, %and3A_67 : vector<16xi32>
    %add3A_69 = arith.constant 0 : i32
    %add3A_70 = vector.broadcast %add3A_69 : i32 to vector<16xi32>
    %add3A_71 = arith.addi %add3A_70, %iota3A : vector<16xi32>
    %gather3A_72 = arith.constant 0 : i32
    %gather3A_73 = arith.constant 0 : i32
    %gather3A_74 = arith.constant 0 : i32
    %gather3A_75 = tpu.memref_slice %arg6[%gather3A_72, %gather3A_73, %gather3A_74] : memref<3x64x512xf32, #tpu.memory_space<vmem>> -> memref<1x64x512xf32, #tpu.memory_space<vmem>>
    %gather3A_76 = tpu.memref_squeeze %gather3A_75 : memref<1x64x512xf32, #tpu.memory_space<vmem>> -> memref<64x512xf32, #tpu.memory_space<vmem>>
    %gather3A_77 = tpu.vector_load_idx %gather3A_76[%add3A_71, %and3A_68] : memref<64x512xf32, #tpu.memory_space<vmem>>[vector<16xi32>, vector<16xi32>], vector<16xf32>,
    %swap3A = arith.constant 0 : index
    %swap3A_78 = tpu.vector_load %arg7[%swap3A] {strides = array<i32>} : memref<512xf32, #tpu.memory_space<vmem>>, vector<16xf32>,
    tpu.vector_store %arg7[%swap3A], %gather3A_77 {strides = array<i32>} : memref<512xf32, #tpu.memory_space<vmem>>, vector<16xf32>,
    %add3A_79 = arith.constant 16 : i32
    %add3A_80 = vector.broadcast %add3A_79 : i32 to vector<16xi32>
    %add3A_81 = arith.addi %add3A_80, %iota3A : vector<16xi32>
    %gather3A_82 = tpu.vector_load_idx %arg5[%add3A_81] : memref<512xi32, #tpu.memory_space<vmem>>[vector<16xi32>], vector<16xi32>,
    %add3A_83 = arith.constant 511 : i32
    %add3A_84 = vector.broadcast %add3A_83 : i32 to vector<16xi32>
    %add3A_85 = arith.addi %gather3A_82, %add3A_84 : vector<16xi32>
    %and3A_86 = arith.constant 511 : i32
    %and3A_87 = vector.broadcast %and3A_86 : i32 to vector<16xi32>
    %and3A_88 = arith.andi %add3A_85, %and3A_87 : vector<16xi32>
    %add3A_89 = arith.constant 16 : i32
    %add3A_90 = vector.broadcast %add3A_89 : i32 to vector<16xi32>
    %add3A_91 = arith.addi %add3A_90, %iota3A : vector<16xi32>
    %gather3A_92 = arith.constant 0 : i32
    %gather3A_93 = arith.constant 0 : i32
    %gather3A_94 = arith.constant 0 : i32
    %gather3A_95 = tpu.memref_slice %arg6[%gather3A_92, %gather3A_93, %gather3A_94] : memref<3x64x512xf32, #tpu.memory_space<vmem>> -> memref<1x64x512xf32, #tpu.memory_space<vmem>>
    %gather3A_96 = tpu.memref_squeeze %gather3A_95 : memref<1x64x512xf32, #tpu.memory_space<vmem>> -> memref<64x512xf32, #tpu.memory_space<vmem>>
    %gather3A_97 = tpu.vector_load_idx %gather3A_96[%add3A_91, %and3A_88] : memref<64x512xf32, #tpu.memory_space<vmem>>[vector<16xi32>, vector<16xi32>], vector<16xf32>,
    %swap3A_98 = arith.constant 16 : index
    %swap3A_99 = tpu.vector_load %arg7[%swap3A_98] {strides = array<i32>} : memref<512xf32, #tpu.memory_space<vmem>>, vector<16xf32>,
    tpu.vector_store %arg7[%swap3A_98], %gather3A_97 {strides = array<i32>} : memref<512xf32, #tpu.memory_space<vmem>>, vector<16xf32>,
    %add3A_100 = arith.constant 32 : i32
    %add3A_101 = vector.broadcast %add3A_100 : i32 to vector<16xi32>
    %add3A_102 = arith.addi %add3A_101, %iota3A : vector<16xi32>
    %gather3A_103 = tpu.vector_load_idx %arg5[%add3A_102] : memref<512xi32, #tpu.memory_space<vmem>>[vector<16xi32>], vector<16xi32>,
    %add3A_104 = arith.constant 511 : i32
    %add3A_105 = vector.broadcast %add3A_104 : i32 to vector<16xi32>
    %add3A_106 = arith.addi %gather3A_103, %add3A_105 : vector<16xi32>
    %and3A_107 = arith.constant 511 : i32
    %and3A_108 = vector.broadcast %and3A_107 : i32 to vector<16xi32>
    %and3A_109 = arith.andi %add3A_106, %and3A_108 : vector<16xi32>
    %add3A_110 = arith.constant 32 : i32
    %add3A_111 = vector.broadcast %add3A_110 : i32 to vector<16xi32>
    %add3A_112 = arith.addi %add3A_111, %iota3A : vector<16xi32>
    %gather3A_113 = arith.constant 0 : i32
    %gather3A_114 = arith.constant 0 : i32
    %gather3A_115 = arith.constant 0 : i32
    %gather3A_116 = tpu.memref_slice %arg6[%gather3A_113, %gather3A_114, %gather3A_115] : memref<3x64x512xf32, #tpu.memory_space<vmem>> -> memref<1x64x512xf32, #tpu.memory_space<vmem>>
    %gather3A_117 = tpu.memref_squeeze %gather3A_116 : memref<1x64x512xf32, #tpu.memory_space<vmem>> -> memref<64x512xf32, #tpu.memory_space<vmem>>
    %gather3A_118 = tpu.vector_load_idx %gather3A_117[%add3A_112, %and3A_109] : memref<64x512xf32, #tpu.memory_space<vmem>>[vector<16xi32>, vector<16xi32>], vector<16xf32>,
    %swap3A_119 = arith.constant 32 : index
    %swap3A_120 = tpu.vector_load %arg7[%swap3A_119] {strides = array<i32>} : memref<512xf32, #tpu.memory_space<vmem>>, vector<16xf32>,
    tpu.vector_store %arg7[%swap3A_119], %gather3A_118 {strides = array<i32>} : memref<512xf32, #tpu.memory_space<vmem>>, vector<16xf32>,
    %add3A_121 = arith.constant 48 : i32
    %add3A_122 = vector.broadcast %add3A_121 : i32 to vector<16xi32>
    %add3A_123 = arith.addi %add3A_122, %iota3A : vector<16xi32>
    %gather3A_124 = tpu.vector_load_idx %arg5[%add3A_123] : memref<512xi32, #tpu.memory_space<vmem>>[vector<16xi32>], vector<16xi32>,
    %add3A_125 = arith.constant 511 : i32
    %add3A_126 = vector.broadcast %add3A_125 : i32 to vector<16xi32>
    %add3A_127 = arith.addi %gather3A_124, %add3A_126 : vector<16xi32>
    %and3A_128 = arith.constant 511 : i32
    %and3A_129 = vector.broadcast %and3A_128 : i32 to vector<16xi32>
    %and3A_130 = arith.andi %add3A_127, %and3A_129 : vector<16xi32>
    %add3A_131 = arith.constant 48 : i32
    %add3A_132 = vector.broadcast %add3A_131 : i32 to vector<16xi32>
    %add3A_133 = arith.addi %add3A_132, %iota3A : vector<16xi32>
    %gather3A_134 = arith.constant 0 : i32
    %gather3A_135 = arith.constant 0 : i32
    %gather3A_136 = arith.constant 0 : i32
    %gather3A_137 = tpu.memref_slice %arg6[%gather3A_134, %gather3A_135, %gather3A_136] : memref<3x64x512xf32, #tpu.memory_space<vmem>> -> memref<1x64x512xf32, #tpu.memory_space<vmem>>
    %gather3A_138 = tpu.memref_squeeze %gather3A_137 : memref<1x64x512xf32, #tpu.memory_space<vmem>> -> memref<64x512xf32, #tpu.memory_space<vmem>>
    %gather3A_139 = tpu.vector_load_idx %gather3A_138[%add3A_133, %and3A_130] : memref<64x512xf32, #tpu.memory_space<vmem>>[vector<16xi32>, vector<16xi32>], vector<16xf32>,
    %swap3A_140 = arith.constant 48 : index
    %swap3A_141 = tpu.vector_load %arg7[%swap3A_140] {strides = array<i32>} : memref<512xf32, #tpu.memory_space<vmem>>, vector<16xf32>,
    tpu.vector_store %arg7[%swap3A_140], %gather3A_139 {strides = array<i32>} : memref<512xf32, #tpu.memory_space<vmem>>, vector<16xf32>,
    %add3A_142 = arith.constant 192 : i32
    %add3A_143 = arith.addi %mul3A_2, %add3A_142 : i32
    %dma_start3A_144 = arith.constant 0 : i32
    %dma_start3A_145 = arith.constant 0 : i32
    %dma_start3A_146 = arith.constant 0 : i32
    %dma_start3A_147 = tpu.memref_slice %arg6[%dma_start3A_144, %dma_start3A_145, %dma_start3A_146] : memref<3x64x512xf32, #tpu.memory_space<vmem>> -> memref<1x64x512xf32, #tpu.memory_space<vmem>>
    %dma_start3A_148 = tpu.memref_squeeze %dma_start3A_147 : memref<1x64x512xf32, #tpu.memory_space<vmem>> -> memref<64x512xf32, #tpu.memory_space<vmem>>
    %dma_start3A_149 = arith.constant 0 : i32
    %dma_start3A_150 = tpu.memref_slice %arg2[%add3A_143, %dma_start3A_149] : memref<16384x512xf32, #tpu.memory_space<hbm>> -> memref<64x512xf32, #tpu.memory_space<hbm>>
    %dma_start3A_151 = arith.constant 0 : i32
    %dma_start3A_152 = arith.constant 0 : i32
    %dma_start3A_153 = tpu.memref_slice %arg6[%dma_start3A_144, %dma_start3A_151, %dma_start3A_152] : memref<3x64x512xf32, #tpu.memory_space<vmem>> -> memref<1x64x512xf32, #tpu.memory_space<vmem>>
    %dma_start3A_154 = tpu.memref_squeeze %dma_start3A_153 : memref<1x64x512xf32, #tpu.memory_space<vmem>> -> memref<64x512xf32, #tpu.memory_space<vmem>>
    %dma_start3A_155 = arith.constant 0 : i32
    %dma_start3A_156 = tpu.memref_slice %arg2[%add3A_143, %dma_start3A_155] : memref<16384x512xf32, #tpu.memory_space<hbm>> -> memref<64x512xf32, #tpu.memory_space<hbm>>
    tpu.enqueue_dma source(%dma_start3A_156 : memref<64x512xf32, #tpu.memory_space<hbm>>) target(%dma_start3A_154 : memref<64x512xf32, #tpu.memory_space<vmem>>) target_semaphore(%arg9 : memref<!tpu.dma_semaphore, #tpu.memory_space<semaphore_mem>>)
    %dma_wait3A_157 = arith.constant 1 : i32
    %dma_wait3A_158 = arith.constant 0 : i32
    %dma_wait3A_159 = arith.constant 0 : i32
    %dma_wait3A_160 = tpu.memref_slice %arg6[%dma_wait3A_157, %dma_wait3A_158, %dma_wait3A_159] : memref<3x64x512xf32, #tpu.memory_space<vmem>> -> memref<1x64x512xf32, #tpu.memory_space<vmem>>
    %dma_wait3A_161 = tpu.memref_squeeze %dma_wait3A_160 : memref<1x64x512xf32, #tpu.memory_space<vmem>> -> memref<64x512xf32, #tpu.memory_space<vmem>>
    %dma_wait3A_162 = arith.constant 0 : i32
    %dma_wait3A_163 = tpu.memref_slice %arg2[%add3A_18, %dma_wait3A_162] : memref<16384x512xf32, #tpu.memory_space<hbm>> -> memref<64x512xf32, #tpu.memory_space<hbm>>
    %dma_wait3A_164 = arith.constant 0 : i32
    %dma_wait3A_165 = arith.constant 0 : i32
    %dma_wait3A_166 = tpu.memref_slice %arg6[%dma_wait3A_157, %dma_wait3A_164, %dma_wait3A_165] : memref<3x64x512xf32, #tpu.memory_space<vmem>> -> memref<1x64x512xf32, #tpu.memory_space<vmem>>
    %dma_wait3A_167 = tpu.memref_squeeze %dma_wait3A_166 : memref<1x64x512xf32, #tpu.memory_space<vmem>> -> memref<64x512xf32, #tpu.memory_space<vmem>>
    %dma_wait3A_168 = arith.constant 0 : i32
    %dma_wait3A_169 = tpu.memref_slice %arg2[%add3A_18, %dma_wait3A_168] : memref<16384x512xf32, #tpu.memory_space<hbm>> -> memref<64x512xf32, #tpu.memory_space<hbm>>
    tpu.wait_dma2 semaphore(%arg9 : memref<!tpu.dma_semaphore, #tpu.memory_space<semaphore_mem>>) src(%dma_wait3A_169 : memref<64x512xf32, #tpu.memory_space<hbm>>) dst(%dma_wait3A_167 : memref<64x512xf32, #tpu.memory_space<vmem>>)
    %add3A_170 = arith.constant 64 : i32
    %add3A_171 = vector.broadcast %add3A_170 : i32 to vector<16xi32>
    %add3A_172 = arith.addi %add3A_171, %iota3A : vector<16xi32>
    %gather3A_173 = tpu.vector_load_idx %arg5[%add3A_172] : memref<512xi32, #tpu.memory_space<vmem>>[vector<16xi32>], vector<16xi32>,
    %add3A_174 = arith.constant 511 : i32
    %add3A_175 = vector.broadcast %add3A_174 : i32 to vector<16xi32>
    %add3A_176 = arith.addi %gather3A_173, %add3A_175 : vector<16xi32>
    %and3A_177 = arith.constant 511 : i32
    %and3A_178 = vector.broadcast %and3A_177 : i32 to vector<16xi32>
    %and3A_179 = arith.andi %add3A_176, %and3A_178 : vector<16xi32>
    %add3A_180 = arith.constant 0 : i32
    %add3A_181 = vector.broadcast %add3A_180 : i32 to vector<16xi32>
    %add3A_182 = arith.addi %add3A_181, %iota3A : vector<16xi32>
    %gather3A_183 = arith.constant 1 : i32
    %gather3A_184 = arith.constant 0 : i32
    %gather3A_185 = arith.constant 0 : i32
    %gather3A_186 = tpu.memref_slice %arg6[%gather3A_183, %gather3A_184, %gather3A_185] : memref<3x64x512xf32, #tpu.memory_space<vmem>> -> memref<1x64x512xf32, #tpu.memory_space<vmem>>
    %gather3A_187 = tpu.memref_squeeze %gather3A_186 : memref<1x64x512xf32, #tpu.memory_space<vmem>> -> memref<64x512xf32, #tpu.memory_space<vmem>>
    %gather3A_188 = tpu.vector_load_idx %gather3A_187[%add3A_182, %and3A_179] : memref<64x512xf32, #tpu.memory_space<vmem>>[vector<16xi32>, vector<16xi32>], vector<16xf32>,
    %swap3A_189 = arith.constant 64 : index
    %swap3A_190 = tpu.vector_load %arg7[%swap3A_189] {strides = array<i32>} : memref<512xf32, #tpu.memory_space<vmem>>, vector<16xf32>,
    tpu.vector_store %arg7[%swap3A_189], %gather3A_188 {strides = array<i32>} : memref<512xf32, #tpu.memory_space<vmem>>, vector<16xf32>,
    %add3A_191 = arith.constant 80 : i32
    %add3A_192 = vector.broadcast %add3A_191 : i32 to vector<16xi32>
    %add3A_193 = arith.addi %add3A_192, %iota3A : vector<16xi32>
    %gather3A_194 = tpu.vector_load_idx %arg5[%add3A_193] : memref<512xi32, #tpu.memory_space<vmem>>[vector<16xi32>], vector<16xi32>,
    %add3A_195 = arith.constant 511 : i32
    %add3A_196 = vector.broadcast %add3A_195 : i32 to vector<16xi32>
    %add3A_197 = arith.addi %gather3A_194, %add3A_196 : vector<16xi32>
    %and3A_198 = arith.constant 511 : i32
    %and3A_199 = vector.broadcast %and3A_198 : i32 to vector<16xi32>
    %and3A_200 = arith.andi %add3A_197, %and3A_199 : vector<16xi32>
    %add3A_201 = arith.constant 16 : i32
    %add3A_202 = vector.broadcast %add3A_201 : i32 to vector<16xi32>
    %add3A_203 = arith.addi %add3A_202, %iota3A : vector<16xi32>
    %gather3A_204 = arith.constant 1 : i32
    %gather3A_205 = arith.constant 0 : i32
    %gather3A_206 = arith.constant 0 : i32
    %gather3A_207 = tpu.memref_slice %arg6[%gather3A_204, %gather3A_205, %gather3A_206] : memref<3x64x512xf32, #tpu.memory_space<vmem>> -> memref<1x64x512xf32, #tpu.memory_space<vmem>>
    %gather3A_208 = tpu.memref_squeeze %gather3A_207 : memref<1x64x512xf32, #tpu.memory_space<vmem>> -> memref<64x512xf32, #tpu.memory_space<vmem>>
    %gather3A_209 = tpu.vector_load_idx %gather3A_208[%add3A_203, %and3A_200] : memref<64x512xf32, #tpu.memory_space<vmem>>[vector<16xi32>, vector<16xi32>], vector<16xf32>,
    %swap3A_210 = arith.constant 80 : index
    %swap3A_211 = tpu.vector_load %arg7[%swap3A_210] {strides = array<i32>} : memref<512xf32, #tpu.memory_space<vmem>>, vector<16xf32>,
    tpu.vector_store %arg7[%swap3A_210], %gather3A_209 {strides = array<i32>} : memref<512xf32, #tpu.memory_space<vmem>>, vector<16xf32>,
    %add3A_212 = arith.constant 96 : i32
    %add3A_213 = vector.broadcast %add3A_212 : i32 to vector<16xi32>
    %add3A_214 = arith.addi %add3A_213, %iota3A : vector<16xi32>
    %gather3A_215 = tpu.vector_load_idx %arg5[%add3A_214] : memref<512xi32, #tpu.memory_space<vmem>>[vector<16xi32>], vector<16xi32>,
    %add3A_216 = arith.constant 511 : i32
    %add3A_217 = vector.broadcast %add3A_216 : i32 to vector<16xi32>
    %add3A_218 = arith.addi %gather3A_215, %add3A_217 : vector<16xi32>
    %and3A_219 = arith.constant 511 : i32
    %and3A_220 = vector.broadcast %and3A_219 : i32 to vector<16xi32>
    %and3A_221 = arith.andi %add3A_218, %and3A_220 : vector<16xi32>
    %add3A_222 = arith.constant 32 : i32
    %add3A_223 = vector.broadcast %add3A_222 : i32 to vector<16xi32>
    %add3A_224 = arith.addi %add3A_223, %iota3A : vector<16xi32>
    %gather3A_225 = arith.constant 1 : i32
    %gather3A_226 = arith.constant 0 : i32
    %gather3A_227 = arith.constant 0 : i32
    %gather3A_228 = tpu.memref_slice %arg6[%gather3A_225, %gather3A_226, %gather3A_227] : memref<3x64x512xf32, #tpu.memory_space<vmem>> -> memref<1x64x512xf32, #tpu.memory_space<vmem>>
    %gather3A_229 = tpu.memref_squeeze %gather3A_228 : memref<1x64x512xf32, #tpu.memory_space<vmem>> -> memref<64x512xf32, #tpu.memory_space<vmem>>
    %gather3A_230 = tpu.vector_load_idx %gather3A_229[%add3A_224, %and3A_221] : memref<64x512xf32, #tpu.memory_space<vmem>>[vector<16xi32>, vector<16xi32>], vector<16xf32>,
    %swap3A_231 = arith.constant 96 : index
    %swap3A_232 = tpu.vector_load %arg7[%swap3A_231] {strides = array<i32>} : memref<512xf32, #tpu.memory_space<vmem>>, vector<16xf32>,
    tpu.vector_store %arg7[%swap3A_231], %gather3A_230 {strides = array<i32>} : memref<512xf32, #tpu.memory_space<vmem>>, vector<16xf32>,
    %add3A_233 = arith.constant 112 : i32
    %add3A_234 = vector.broadcast %add3A_233 : i32 to vector<16xi32>
    %add3A_235 = arith.addi %add3A_234, %iota3A : vector<16xi32>
    %gather3A_236 = tpu.vector_load_idx %arg5[%add3A_235] : memref<512xi32, #tpu.memory_space<vmem>>[vector<16xi32>], vector<16xi32>,
    %add3A_237 = arith.constant 511 : i32
    %add3A_238 = vector.broadcast %add3A_237 : i32 to vector<16xi32>
    %add3A_239 = arith.addi %gather3A_236, %add3A_238 : vector<16xi32>
    %and3A_240 = arith.constant 511 : i32
    %and3A_241 = vector.broadcast %and3A_240 : i32 to vector<16xi32>
    %and3A_242 = arith.andi %add3A_239, %and3A_241 : vector<16xi32>
    %add3A_243 = arith.constant 48 : i32
    %add3A_244 = vector.broadcast %add3A_243 : i32 to vector<16xi32>
    %add3A_245 = arith.addi %add3A_244, %iota3A : vector<16xi32>
    %gather3A_246 = arith.constant 1 : i32
    %gather3A_247 = arith.constant 0 : i32
    %gather3A_248 = arith.constant 0 : i32
    %gather3A_249 = tpu.memref_slice %arg6[%gather3A_246, %gather3A_247, %gather3A_248] : memref<3x64x512xf32, #tpu.memory_space<vmem>> -> memref<1x64x512xf32, #tpu.memory_space<vmem>>
    %gather3A_250 = tpu.memref_squeeze %gather3A_249 : memref<1x64x512xf32, #tpu.memory_space<vmem>> -> memref<64x512xf32, #tpu.memory_space<vmem>>
    %gather3A_251 = tpu.vector_load_idx %gather3A_250[%add3A_245, %and3A_242] : memref<64x512xf32, #tpu.memory_space<vmem>>[vector<16xi32>, vector<16xi32>], vector<16xf32>,
    %swap3A_252 = arith.constant 112 : index
    %swap3A_253 = tpu.vector_load %arg7[%swap3A_252] {strides = array<i32>} : memref<512xf32, #tpu.memory_space<vmem>>, vector<16xf32>,
    tpu.vector_store %arg7[%swap3A_252], %gather3A_251 {strides = array<i32>} : memref<512xf32, #tpu.memory_space<vmem>>, vector<16xf32>,
    %add3A_254 = arith.constant 256 : i32
    %add3A_255 = arith.addi %mul3A_2, %add3A_254 : i32
    %dma_start3A_256 = arith.constant 1 : i32
    %dma_start3A_257 = arith.constant 0 : i32
    %dma_start3A_258 = arith.constant 0 : i32
    %dma_start3A_259 = tpu.memref_slice %arg6[%dma_start3A_256, %dma_start3A_257, %dma_start3A_258] : memref<3x64x512xf32, #tpu.memory_space<vmem>> -> memref<1x64x512xf32, #tpu.memory_space<vmem>>
    %dma_start3A_260 = tpu.memref_squeeze %dma_start3A_259 : memref<1x64x512xf32, #tpu.memory_space<vmem>> -> memref<64x512xf32, #tpu.memory_space<vmem>>
    %dma_start3A_261 = arith.constant 0 : i32
    %dma_start3A_262 = tpu.memref_slice %arg2[%add3A_255, %dma_start3A_261] : memref<16384x512xf32, #tpu.memory_space<hbm>> -> memref<64x512xf32, #tpu.memory_space<hbm>>
    %dma_start3A_263 = arith.constant 0 : i32
    %dma_start3A_264 = arith.constant 0 : i32
    %dma_start3A_265 = tpu.memref_slice %arg6[%dma_start3A_256, %dma_start3A_263, %dma_start3A_264] : memref<3x64x512xf32, #tpu.memory_space<vmem>> -> memref<1x64x512xf32, #tpu.memory_space<vmem>>
    %dma_start3A_266 = tpu.memref_squeeze %dma_start3A_265 : memref<1x64x512xf32, #tpu.memory_space<vmem>> -> memref<64x512xf32, #tpu.memory_space<vmem>>
    %dma_start3A_267 = arith.constant 0 : i32
    %dma_start3A_268 = tpu.memref_slice %arg2[%add3A_255, %dma_start3A_267] : memref<16384x512xf32, #tpu.memory_space<hbm>> -> memref<64x512xf32, #tpu.memory_space<hbm>>
    tpu.enqueue_dma source(%dma_start3A_268 : memref<64x512xf32, #tpu.memory_space<hbm>>) target(%dma_start3A_266 : memref<64x512xf32, #tpu.memory_space<vmem>>) target_semaphore(%arg9 : memref<!tpu.dma_semaphore, #tpu.memory_space<semaphore_mem>>)
    %dma_wait3A_269 = arith.constant 2 : i32
    %dma_wait3A_270 = arith.constant 0 : i32
    %dma_wait3A_271 = arith.constant 0 : i32
    %dma_wait3A_272 = tpu.memref_slice %arg6[%dma_wait3A_269, %dma_wait3A_270, %dma_wait3A_271] : memref<3x64x512xf32, #tpu.memory_space<vmem>> -> memref<1x64x512xf32, #tpu.memory_space<vmem>>
    %dma_wait3A_273 = tpu.memref_squeeze %dma_wait3A_272 : memref<1x64x512xf32, #tpu.memory_space<vmem>> -> memref<64x512xf32, #tpu.memory_space<vmem>>
    %dma_wait3A_274 = arith.constant 0 : i32
    %dma_wait3A_275 = tpu.memref_slice %arg2[%add3A_35, %dma_wait3A_274] : memref<16384x512xf32, #tpu.memory_space<hbm>> -> memref<64x512xf32, #tpu.memory_space<hbm>>
    %dma_wait3A_276 = arith.constant 0 : i32
    %dma_wait3A_277 = arith.constant 0 : i32
    %dma_wait3A_278 = tpu.memref_slice %arg6[%dma_wait3A_269, %dma_wait3A_276, %dma_wait3A_277] : memref<3x64x512xf32, #tpu.memory_space<vmem>> -> memref<1x64x512xf32, #tpu.memory_space<vmem>>
    %dma_wait3A_279 = tpu.memref_squeeze %dma_wait3A_278 : memref<1x64x512xf32, #tpu.memory_space<vmem>> -> memref<64x512xf32, #tpu.memory_space<vmem>>
    %dma_wait3A_280 = arith.constant 0 : i32
    %dma_wait3A_281 = tpu.memref_slice %arg2[%add3A_35, %dma_wait3A_280] : memref<16384x512xf32, #tpu.memory_space<hbm>> -> memref<64x512xf32, #tpu.memory_space<hbm>>
    tpu.wait_dma2 semaphore(%arg9 : memref<!tpu.dma_semaphore, #tpu.memory_space<semaphore_mem>>) src(%dma_wait3A_281 : memref<64x512xf32, #tpu.memory_space<hbm>>) dst(%dma_wait3A_279 : memref<64x512xf32, #tpu.memory_space<vmem>>)
    %add3A_282 = arith.constant 128 : i32
    %add3A_283 = vector.broadcast %add3A_282 : i32 to vector<16xi32>
    %add3A_284 = arith.addi %add3A_283, %iota3A : vector<16xi32>
    %gather3A_285 = tpu.vector_load_idx %arg5[%add3A_284] : memref<512xi32, #tpu.memory_space<vmem>>[vector<16xi32>], vector<16xi32>,
    %add3A_286 = arith.constant 511 : i32
    %add3A_287 = vector.broadcast %add3A_286 : i32 to vector<16xi32>
    %add3A_288 = arith.addi %gather3A_285, %add3A_287 : vector<16xi32>
    %and3A_289 = arith.constant 511 : i32
    %and3A_290 = vector.broadcast %and3A_289 : i32 to vector<16xi32>
    %and3A_291 = arith.andi %add3A_288, %and3A_290 : vector<16xi32>
    %add3A_292 = arith.constant 0 : i32
    %add3A_293 = vector.broadcast %add3A_292 : i32 to vector<16xi32>
    %add3A_294 = arith.addi %add3A_293, %iota3A : vector<16xi32>
    %gather3A_295 = arith.constant 2 : i32
    %gather3A_296 = arith.constant 0 : i32
    %gather3A_297 = arith.constant 0 : i32
    %gather3A_298 = tpu.memref_slice %arg6[%gather3A_295, %gather3A_296, %gather3A_297] : memref<3x64x512xf32, #tpu.memory_space<vmem>> -> memref<1x64x512xf32, #tpu.memory_space<vmem>>
    %gather3A_299 = tpu.memref_squeeze %gather3A_298 : memref<1x64x512xf32, #tpu.memory_space<vmem>> -> memref<64x512xf32, #tpu.memory_space<vmem>>
    %gather3A_300 = tpu.vector_load_idx %gather3A_299[%add3A_294, %and3A_291] : memref<64x512xf32, #tpu.memory_space<vmem>>[vector<16xi32>, vector<16xi32>], vector<16xf32>,
    %swap3A_301 = arith.constant 128 : index
    %swap3A_302 = tpu.vector_load %arg7[%swap3A_301] {strides = array<i32>} : memref<512xf32, #tpu.memory_space<vmem>>, vector<16xf32>,
    tpu.vector_store %arg7[%swap3A_301], %gather3A_300 {strides = array<i32>} : memref<512xf32, #tpu.memory_space<vmem>>, vector<16xf32>,
    %add3A_303 = arith.constant 144 : i32
    %add3A_304 = vector.broadcast %add3A_303 : i32 to vector<16xi32>
    %add3A_305 = arith.addi %add3A_304, %iota3A : vector<16xi32>
    %gather3A_306 = tpu.vector_load_idx %arg5[%add3A_305] : memref<512xi32, #tpu.memory_space<vmem>>[vector<16xi32>], vector<16xi32>,
    %add3A_307 = arith.constant 511 : i32
    %add3A_308 = vector.broadcast %add3A_307 : i32 to vector<16xi32>
    %add3A_309 = arith.addi %gather3A_306, %add3A_308 : vector<16xi32>
    %and3A_310 = arith.constant 511 : i32
    %and3A_311 = vector.broadcast %and3A_310 : i32 to vector<16xi32>
    %and3A_312 = arith.andi %add3A_309, %and3A_311 : vector<16xi32>
    %add3A_313 = arith.constant 16 : i32
    %add3A_314 = vector.broadcast %add3A_313 : i32 to vector<16xi32>
    %add3A_315 = arith.addi %add3A_314, %iota3A : vector<16xi32>
    %gather3A_316 = arith.constant 2 : i32
    %gather3A_317 = arith.constant 0 : i32
    %gather3A_318 = arith.constant 0 : i32
    %gather3A_319 = tpu.memref_slice %arg6[%gather3A_316, %gather3A_317, %gather3A_318] : memref<3x64x512xf32, #tpu.memory_space<vmem>> -> memref<1x64x512xf32, #tpu.memory_space<vmem>>
    %gather3A_320 = tpu.memref_squeeze %gather3A_319 : memref<1x64x512xf32, #tpu.memory_space<vmem>> -> memref<64x512xf32, #tpu.memory_space<vmem>>
    %gather3A_321 = tpu.vector_load_idx %gather3A_320[%add3A_315, %and3A_312] : memref<64x512xf32, #tpu.memory_space<vmem>>[vector<16xi32>, vector<16xi32>], vector<16xf32>,
    %swap3A_322 = arith.constant 144 : index
    %swap3A_323 = tpu.vector_load %arg7[%swap3A_322] {strides = array<i32>} : memref<512xf32, #tpu.memory_space<vmem>>, vector<16xf32>,
    tpu.vector_store %arg7[%swap3A_322], %gather3A_321 {strides = array<i32>} : memref<512xf32, #tpu.memory_space<vmem>>, vector<16xf32>,
    %add3A_324 = arith.constant 160 : i32
    %add3A_325 = vector.broadcast %add3A_324 : i32 to vector<16xi32>
    %add3A_326 = arith.addi %add3A_325, %iota3A : vector<16xi32>
    %gather3A_327 = tpu.vector_load_idx %arg5[%add3A_326] : memref<512xi32, #tpu.memory_space<vmem>>[vector<16xi32>], vector<16xi32>,
    %add3A_328 = arith.constant 511 : i32
    %add3A_329 = vector.broadcast %add3A_328 : i32 to vector<16xi32>
    %add3A_330 = arith.addi %gather3A_327, %add3A_329 : vector<16xi32>
    %and3A_331 = arith.constant 511 : i32
    %and3A_332 = vector.broadcast %and3A_331 : i32 to vector<16xi32>
    %and3A_333 = arith.andi %add3A_330, %and3A_332 : vector<16xi32>
    %add3A_334 = arith.constant 32 : i32
    %add3A_335 = vector.broadcast %add3A_334 : i32 to vector<16xi32>
    %add3A_336 = arith.addi %add3A_335, %iota3A : vector<16xi32>
    %gather3A_337 = arith.constant 2 : i32
    %gather3A_338 = arith.constant 0 : i32
    %gather3A_339 = arith.constant 0 : i32
    %gather3A_340 = tpu.memref_slice %arg6[%gather3A_337, %gather3A_338, %gather3A_339] : memref<3x64x512xf32, #tpu.memory_space<vmem>> -> memref<1x64x512xf32, #tpu.memory_space<vmem>>
    %gather3A_341 = tpu.memref_squeeze %gather3A_340 : memref<1x64x512xf32, #tpu.memory_space<vmem>> -> memref<64x512xf32, #tpu.memory_space<vmem>>
    %gather3A_342 = tpu.vector_load_idx %gather3A_341[%add3A_336, %and3A_333] : memref<64x512xf32, #tpu.memory_space<vmem>>[vector<16xi32>, vector<16xi32>], vector<16xf32>,
    %swap3A_343 = arith.constant 160 : index
    %swap3A_344 = tpu.vector_load %arg7[%swap3A_343] {strides = array<i32>} : memref<512xf32, #tpu.memory_space<vmem>>, vector<16xf32>,
    tpu.vector_store %arg7[%swap3A_343], %gather3A_342 {strides = array<i32>} : memref<512xf32, #tpu.memory_space<vmem>>, vector<16xf32>,
    %add3A_345 = arith.constant 176 : i32
    %add3A_346 = vector.broadcast %add3A_345 : i32 to vector<16xi32>
    %add3A_347 = arith.addi %add3A_346, %iota3A : vector<16xi32>
    %gather3A_348 = tpu.vector_load_idx %arg5[%add3A_347] : memref<512xi32, #tpu.memory_space<vmem>>[vector<16xi32>], vector<16xi32>,
    %add3A_349 = arith.constant 511 : i32
    %add3A_350 = vector.broadcast %add3A_349 : i32 to vector<16xi32>
    %add3A_351 = arith.addi %gather3A_348, %add3A_350 : vector<16xi32>
    %and3A_352 = arith.constant 511 : i32
    %and3A_353 = vector.broadcast %and3A_352 : i32 to vector<16xi32>
    %and3A_354 = arith.andi %add3A_351, %and3A_353 : vector<16xi32>
    %add3A_355 = arith.constant 48 : i32
    %add3A_356 = vector.broadcast %add3A_355 : i32 to vector<16xi32>
    %add3A_357 = arith.addi %add3A_356, %iota3A : vector<16xi32>
    %gather3A_358 = arith.constant 2 : i32
    %gather3A_359 = arith.constant 0 : i32
    %gather3A_360 = arith.constant 0 : i32
    %gather3A_361 = tpu.memref_slice %arg6[%gather3A_358, %gather3A_359, %gather3A_360] : memref<3x64x512xf32, #tpu.memory_space<vmem>> -> memref<1x64x512xf32, #tpu.memory_space<vmem>>
    %gather3A_362 = tpu.memref_squeeze %gather3A_361 : memref<1x64x512xf32, #tpu.memory_space<vmem>> -> memref<64x512xf32, #tpu.memory_space<vmem>>
    %gather3A_363 = tpu.vector_load_idx %gather3A_362[%add3A_357, %and3A_354] : memref<64x512xf32, #tpu.memory_space<vmem>>[vector<16xi32>, vector<16xi32>], vector<16xf32>,
    %swap3A_364 = arith.constant 176 : index
    %swap3A_365 = tpu.vector_load %arg7[%swap3A_364] {strides = array<i32>} : memref<512xf32, #tpu.memory_space<vmem>>, vector<16xf32>,
    tpu.vector_store %arg7[%swap3A_364], %gather3A_363 {strides = array<i32>} : memref<512xf32, #tpu.memory_space<vmem>>, vector<16xf32>,
    %add3A_366 = arith.constant 320 : i32
    %add3A_367 = arith.addi %mul3A_2, %add3A_366 : i32
    %dma_start3A_368 = arith.constant 2 : i32
    %dma_start3A_369 = arith.constant 0 : i32
    %dma_start3A_370 = arith.constant 0 : i32
    %dma_start3A_371 = tpu.memref_slice %arg6[%dma_start3A_368, %dma_start3A_369, %dma_start3A_370] : memref<3x64x512xf32, #tpu.memory_space<vmem>> -> memref<1x64x512xf32, #tpu.memory_space<vmem>>
    %dma_start3A_372 = tpu.memref_squeeze %dma_start3A_371 : memref<1x64x512xf32, #tpu.memory_space<vmem>> -> memref<64x512xf32, #tpu.memory_space<vmem>>
    %dma_start3A_373 = arith.constant 0 : i32
    %dma_start3A_374 = tpu.memref_slice %arg2[%add3A_367, %dma_start3A_373] : memref<16384x512xf32, #tpu.memory_space<hbm>> -> memref<64x512xf32, #tpu.memory_space<hbm>>
    %dma_start3A_375 = arith.constant 0 : i32
    %dma_start3A_376 = arith.constant 0 : i32
    %dma_start3A_377 = tpu.memref_slice %arg6[%dma_start3A_368, %dma_start3A_375, %dma_start3A_376] : memref<3x64x512xf32, #tpu.memory_space<vmem>> -> memref<1x64x512xf32, #tpu.memory_space<vmem>>
    %dma_start3A_378 = tpu.memref_squeeze %dma_start3A_377 : memref<1x64x512xf32, #tpu.memory_space<vmem>> -> memref<64x512xf32, #tpu.memory_space<vmem>>
    %dma_start3A_379 = arith.constant 0 : i32
    %dma_start3A_380 = tpu.memref_slice %arg2[%add3A_367, %dma_start3A_379] : memref<16384x512xf32, #tpu.memory_space<hbm>> -> memref<64x512xf32, #tpu.memory_space<hbm>>
    tpu.enqueue_dma source(%dma_start3A_380 : memref<64x512xf32, #tpu.memory_space<hbm>>) target(%dma_start3A_378 : memref<64x512xf32, #tpu.memory_space<vmem>>) target_semaphore(%arg9 : memref<!tpu.dma_semaphore, #tpu.memory_space<semaphore_mem>>)
    %dma_wait3A_381 = arith.constant 0 : i32
    %dma_wait3A_382 = arith.constant 0 : i32
    %dma_wait3A_383 = arith.constant 0 : i32
    %dma_wait3A_384 = tpu.memref_slice %arg6[%dma_wait3A_381, %dma_wait3A_382, %dma_wait3A_383] : memref<3x64x512xf32, #tpu.memory_space<vmem>> -> memref<1x64x512xf32, #tpu.memory_space<vmem>>
    %dma_wait3A_385 = tpu.memref_squeeze %dma_wait3A_384 : memref<1x64x512xf32, #tpu.memory_space<vmem>> -> memref<64x512xf32, #tpu.memory_space<vmem>>
    %dma_wait3A_386 = arith.constant 0 : i32
    %dma_wait3A_387 = tpu.memref_slice %arg2[%add3A_143, %dma_wait3A_386] : memref<16384x512xf32, #tpu.memory_space<hbm>> -> memref<64x512xf32, #tpu.memory_space<hbm>>
    %dma_wait3A_388 = arith.constant 0 : i32
    %dma_wait3A_389 = arith.constant 0 : i32
    %dma_wait3A_390 = tpu.memref_slice %arg6[%dma_wait3A_381, %dma_wait3A_388, %dma_wait3A_389] : memref<3x64x512xf32, #tpu.memory_space<vmem>> -> memref<1x64x512xf32, #tpu.memory_space<vmem>>
    %dma_wait3A_391 = tpu.memref_squeeze %dma_wait3A_390 : memref<1x64x512xf32, #tpu.memory_space<vmem>> -> memref<64x512xf32, #tpu.memory_space<vmem>>
    %dma_wait3A_392 = arith.constant 0 : i32
    %dma_wait3A_393 = tpu.memref_slice %arg2[%add3A_143, %dma_wait3A_392] : memref<16384x512xf32, #tpu.memory_space<hbm>> -> memref<64x512xf32, #tpu.memory_space<hbm>>
    tpu.wait_dma2 semaphore(%arg9 : memref<!tpu.dma_semaphore, #tpu.memory_space<semaphore_mem>>) src(%dma_wait3A_393 : memref<64x512xf32, #tpu.memory_space<hbm>>) dst(%dma_wait3A_391 : memref<64x512xf32, #tpu.memory_space<vmem>>)
    %add3A_394 = arith.constant 192 : i32
    %add3A_395 = vector.broadcast %add3A_394 : i32 to vector<16xi32>
    %add3A_396 = arith.addi %add3A_395, %iota3A : vector<16xi32>
    %gather3A_397 = tpu.vector_load_idx %arg5[%add3A_396] : memref<512xi32, #tpu.memory_space<vmem>>[vector<16xi32>], vector<16xi32>,
    %add3A_398 = arith.constant 511 : i32
    %add3A_399 = vector.broadcast %add3A_398 : i32 to vector<16xi32>
    %add3A_400 = arith.addi %gather3A_397, %add3A_399 : vector<16xi32>
    %and3A_401 = arith.constant 511 : i32
    %and3A_402 = vector.broadcast %and3A_401 : i32 to vector<16xi32>
    %and3A_403 = arith.andi %add3A_400, %and3A_402 : vector<16xi32>
    %add3A_404 = arith.constant 0 : i32
    %add3A_405 = vector.broadcast %add3A_404 : i32 to vector<16xi32>
    %add3A_406 = arith.addi %add3A_405, %iota3A : vector<16xi32>
    %gather3A_407 = arith.constant 0 : i32
    %gather3A_408 = arith.constant 0 : i32
    %gather3A_409 = arith.constant 0 : i32
    %gather3A_410 = tpu.memref_slice %arg6[%gather3A_407, %gather3A_408, %gather3A_409] : memref<3x64x512xf32, #tpu.memory_space<vmem>> -> memref<1x64x512xf32, #tpu.memory_space<vmem>>
    %gather3A_411 = tpu.memref_squeeze %gather3A_410 : memref<1x64x512xf32, #tpu.memory_space<vmem>> -> memref<64x512xf32, #tpu.memory_space<vmem>>
    %gather3A_412 = tpu.vector_load_idx %gather3A_411[%add3A_406, %and3A_403] : memref<64x512xf32, #tpu.memory_space<vmem>>[vector<16xi32>, vector<16xi32>], vector<16xf32>,
    %swap3A_413 = arith.constant 192 : index
    %swap3A_414 = tpu.vector_load %arg7[%swap3A_413] {strides = array<i32>} : memref<512xf32, #tpu.memory_space<vmem>>, vector<16xf32>,
    tpu.vector_store %arg7[%swap3A_413], %gather3A_412 {strides = array<i32>} : memref<512xf32, #tpu.memory_space<vmem>>, vector<16xf32>,
    %add3A_415 = arith.constant 208 : i32
    %add3A_416 = vector.broadcast %add3A_415 : i32 to vector<16xi32>
    %add3A_417 = arith.addi %add3A_416, %iota3A : vector<16xi32>
    %gather3A_418 = tpu.vector_load_idx %arg5[%add3A_417] : memref<512xi32, #tpu.memory_space<vmem>>[vector<16xi32>], vector<16xi32>,
    %add3A_419 = arith.constant 511 : i32
    %add3A_420 = vector.broadcast %add3A_419 : i32 to vector<16xi32>
    %add3A_421 = arith.addi %gather3A_418, %add3A_420 : vector<16xi32>
    %and3A_422 = arith.constant 511 : i32
    %and3A_423 = vector.broadcast %and3A_422 : i32 to vector<16xi32>
    %and3A_424 = arith.andi %add3A_421, %and3A_423 : vector<16xi32>
    %add3A_425 = arith.constant 16 : i32
    %add3A_426 = vector.broadcast %add3A_425 : i32 to vector<16xi32>
    %add3A_427 = arith.addi %add3A_426, %iota3A : vector<16xi32>
    %gather3A_428 = arith.constant 0 : i32
    %gather3A_429 = arith.constant 0 : i32
    %gather3A_430 = arith.constant 0 : i32
    %gather3A_431 = tpu.memref_slice %arg6[%gather3A_428, %gather3A_429, %gather3A_430] : memref<3x64x512xf32, #tpu.memory_space<vmem>> -> memref<1x64x512xf32, #tpu.memory_space<vmem>>
    %gather3A_432 = tpu.memref_squeeze %gather3A_431 : memref<1x64x512xf32, #tpu.memory_space<vmem>> -> memref<64x512xf32, #tpu.memory_space<vmem>>
    %gather3A_433 = tpu.vector_load_idx %gather3A_432[%add3A_427, %and3A_424] : memref<64x512xf32, #tpu.memory_space<vmem>>[vector<16xi32>, vector<16xi32>], vector<16xf32>,
    %swap3A_434 = arith.constant 208 : index
    %swap3A_435 = tpu.vector_load %arg7[%swap3A_434] {strides = array<i32>} : memref<512xf32, #tpu.memory_space<vmem>>, vector<16xf32>,
    tpu.vector_store %arg7[%swap3A_434], %gather3A_433 {strides = array<i32>} : memref<512xf32, #tpu.memory_space<vmem>>, vector<16xf32>,
    %add3A_436 = arith.constant 224 : i32
    %add3A_437 = vector.broadcast %add3A_436 : i32 to vector<16xi32>
    %add3A_438 = arith.addi %add3A_437, %iota3A : vector<16xi32>
    %gather3A_439 = tpu.vector_load_idx %arg5[%add3A_438] : memref<512xi32, #tpu.memory_space<vmem>>[vector<16xi32>], vector<16xi32>,
    %add3A_440 = arith.constant 511 : i32
    %add3A_441 = vector.broadcast %add3A_440 : i32 to vector<16xi32>
    %add3A_442 = arith.addi %gather3A_439, %add3A_441 : vector<16xi32>
    %and3A_443 = arith.constant 511 : i32
    %and3A_444 = vector.broadcast %and3A_443 : i32 to vector<16xi32>
    %and3A_445 = arith.andi %add3A_442, %and3A_444 : vector<16xi32>
    %add3A_446 = arith.constant 32 : i32
    %add3A_447 = vector.broadcast %add3A_446 : i32 to vector<16xi32>
    %add3A_448 = arith.addi %add3A_447, %iota3A : vector<16xi32>
    %gather3A_449 = arith.constant 0 : i32
    %gather3A_450 = arith.constant 0 : i32
    %gather3A_451 = arith.constant 0 : i32
    %gather3A_452 = tpu.memref_slice %arg6[%gather3A_449, %gather3A_450, %gather3A_451] : memref<3x64x512xf32, #tpu.memory_space<vmem>> -> memref<1x64x512xf32, #tpu.memory_space<vmem>>
    %gather3A_453 = tpu.memref_squeeze %gather3A_452 : memref<1x64x512xf32, #tpu.memory_space<vmem>> -> memref<64x512xf32, #tpu.memory_space<vmem>>
    %gather3A_454 = tpu.vector_load_idx %gather3A_453[%add3A_448, %and3A_445] : memref<64x512xf32, #tpu.memory_space<vmem>>[vector<16xi32>, vector<16xi32>], vector<16xf32>,
    %swap3A_455 = arith.constant 224 : index
    %swap3A_456 = tpu.vector_load %arg7[%swap3A_455] {strides = array<i32>} : memref<512xf32, #tpu.memory_space<vmem>>, vector<16xf32>,
    tpu.vector_store %arg7[%swap3A_455], %gather3A_454 {strides = array<i32>} : memref<512xf32, #tpu.memory_space<vmem>>, vector<16xf32>,
    %add3A_457 = arith.constant 240 : i32
    %add3A_458 = vector.broadcast %add3A_457 : i32 to vector<16xi32>
    %add3A_459 = arith.addi %add3A_458, %iota3A : vector<16xi32>
    %gather3A_460 = tpu.vector_load_idx %arg5[%add3A_459] : memref<512xi32, #tpu.memory_space<vmem>>[vector<16xi32>], vector<16xi32>,
    %add3A_461 = arith.constant 511 : i32
    %add3A_462 = vector.broadcast %add3A_461 : i32 to vector<16xi32>
    %add3A_463 = arith.addi %gather3A_460, %add3A_462 : vector<16xi32>
    %and3A_464 = arith.constant 511 : i32
    %and3A_465 = vector.broadcast %and3A_464 : i32 to vector<16xi32>
    %and3A_466 = arith.andi %add3A_463, %and3A_465 : vector<16xi32>
    %add3A_467 = arith.constant 48 : i32
    %add3A_468 = vector.broadcast %add3A_467 : i32 to vector<16xi32>
    %add3A_469 = arith.addi %add3A_468, %iota3A : vector<16xi32>
    %gather3A_470 = arith.constant 0 : i32
    %gather3A_471 = arith.constant 0 : i32
    %gather3A_472 = arith.constant 0 : i32
    %gather3A_473 = tpu.memref_slice %arg6[%gather3A_470, %gather3A_471, %gather3A_472] : memref<3x64x512xf32, #tpu.memory_space<vmem>> -> memref<1x64x512xf32, #tpu.memory_space<vmem>>
    %gather3A_474 = tpu.memref_squeeze %gather3A_473 : memref<1x64x512xf32, #tpu.memory_space<vmem>> -> memref<64x512xf32, #tpu.memory_space<vmem>>
    %gather3A_475 = tpu.vector_load_idx %gather3A_474[%add3A_469, %and3A_466] : memref<64x512xf32, #tpu.memory_space<vmem>>[vector<16xi32>, vector<16xi32>], vector<16xf32>,
    %swap3A_476 = arith.constant 240 : index
    %swap3A_477 = tpu.vector_load %arg7[%swap3A_476] {strides = array<i32>} : memref<512xf32, #tpu.memory_space<vmem>>, vector<16xf32>,
    tpu.vector_store %arg7[%swap3A_476], %gather3A_475 {strides = array<i32>} : memref<512xf32, #tpu.memory_space<vmem>>, vector<16xf32>,
    %add3A_478 = arith.constant 384 : i32
    %add3A_479 = arith.addi %mul3A_2, %add3A_478 : i32
    %dma_start3A_480 = arith.constant 0 : i32
    %dma_start3A_481 = arith.constant 0 : i32
    %dma_start3A_482 = arith.constant 0 : i32
    %dma_start3A_483 = tpu.memref_slice %arg6[%dma_start3A_480, %dma_start3A_481, %dma_start3A_482] : memref<3x64x512xf32, #tpu.memory_space<vmem>> -> memref<1x64x512xf32, #tpu.memory_space<vmem>>
    %dma_start3A_484 = tpu.memref_squeeze %dma_start3A_483 : memref<1x64x512xf32, #tpu.memory_space<vmem>> -> memref<64x512xf32, #tpu.memory_space<vmem>>
    %dma_start3A_485 = arith.constant 0 : i32
    %dma_start3A_486 = tpu.memref_slice %arg2[%add3A_479, %dma_start3A_485] : memref<16384x512xf32, #tpu.memory_space<hbm>> -> memref<64x512xf32, #tpu.memory_space<hbm>>
    %dma_start3A_487 = arith.constant 0 : i32
    %dma_start3A_488 = arith.constant 0 : i32
    %dma_start3A_489 = tpu.memref_slice %arg6[%dma_start3A_480, %dma_start3A_487, %dma_start3A_488] : memref<3x64x512xf32, #tpu.memory_space<vmem>> -> memref<1x64x512xf32, #tpu.memory_space<vmem>>
    %dma_start3A_490 = tpu.memref_squeeze %dma_start3A_489 : memref<1x64x512xf32, #tpu.memory_space<vmem>> -> memref<64x512xf32, #tpu.memory_space<vmem>>
    %dma_start3A_491 = arith.constant 0 : i32
    %dma_start3A_492 = tpu.memref_slice %arg2[%add3A_479, %dma_start3A_491] : memref<16384x512xf32, #tpu.memory_space<hbm>> -> memref<64x512xf32, #tpu.memory_space<hbm>>
    tpu.enqueue_dma source(%dma_start3A_492 : memref<64x512xf32, #tpu.memory_space<hbm>>) target(%dma_start3A_490 : memref<64x512xf32, #tpu.memory_space<vmem>>) target_semaphore(%arg9 : memref<!tpu.dma_semaphore, #tpu.memory_space<semaphore_mem>>)
    %dma_wait3A_493 = arith.constant 1 : i32
    %dma_wait3A_494 = arith.constant 0 : i32
    %dma_wait3A_495 = arith.constant 0 : i32
    %dma_wait3A_496 = tpu.memref_slice %arg6[%dma_wait3A_493, %dma_wait3A_494, %dma_wait3A_495] : memref<3x64x512xf32, #tpu.memory_space<vmem>> -> memref<1x64x512xf32, #tpu.memory_space<vmem>>
    %dma_wait3A_497 = tpu.memref_squeeze %dma_wait3A_496 : memref<1x64x512xf32, #tpu.memory_space<vmem>> -> memref<64x512xf32, #tpu.memory_space<vmem>>
    %dma_wait3A_498 = arith.constant 0 : i32
    %dma_wait3A_499 = tpu.memref_slice %arg2[%add3A_255, %dma_wait3A_498] : memref<16384x512xf32, #tpu.memory_space<hbm>> -> memref<64x512xf32, #tpu.memory_space<hbm>>
    %dma_wait3A_500 = arith.constant 0 : i32
    %dma_wait3A_501 = arith.constant 0 : i32
    %dma_wait3A_502 = tpu.memref_slice %arg6[%dma_wait3A_493, %dma_wait3A_500, %dma_wait3A_501] : memref<3x64x512xf32, #tpu.memory_space<vmem>> -> memref<1x64x512xf32, #tpu.memory_space<vmem>>
    %dma_wait3A_503 = tpu.memref_squeeze %dma_wait3A_502 : memref<1x64x512xf32, #tpu.memory_space<vmem>> -> memref<64x512xf32, #tpu.memory_space<vmem>>
    %dma_wait3A_504 = arith.constant 0 : i32
    %dma_wait3A_505 = tpu.memref_slice %arg2[%add3A_255, %dma_wait3A_504] : memref<16384x512xf32, #tpu.memory_space<hbm>> -> memref<64x512xf32, #tpu.memory_space<hbm>>
    tpu.wait_dma2 semaphore(%arg9 : memref<!tpu.dma_semaphore, #tpu.memory_space<semaphore_mem>>) src(%dma_wait3A_505 : memref<64x512xf32, #tpu.memory_space<hbm>>) dst(%dma_wait3A_503 : memref<64x512xf32, #tpu.memory_space<vmem>>)
    %add3A_506 = arith.constant 256 : i32
    %add3A_507 = vector.broadcast %add3A_506 : i32 to vector<16xi32>
    %add3A_508 = arith.addi %add3A_507, %iota3A : vector<16xi32>
    %gather3A_509 = tpu.vector_load_idx %arg5[%add3A_508] : memref<512xi32, #tpu.memory_space<vmem>>[vector<16xi32>], vector<16xi32>,
    %add3A_510 = arith.constant 511 : i32
    %add3A_511 = vector.broadcast %add3A_510 : i32 to vector<16xi32>
    %add3A_512 = arith.addi %gather3A_509, %add3A_511 : vector<16xi32>
    %and3A_513 = arith.constant 511 : i32
    %and3A_514 = vector.broadcast %and3A_513 : i32 to vector<16xi32>
    %and3A_515 = arith.andi %add3A_512, %and3A_514 : vector<16xi32>
    %add3A_516 = arith.constant 0 : i32
    %add3A_517 = vector.broadcast %add3A_516 : i32 to vector<16xi32>
    %add3A_518 = arith.addi %add3A_517, %iota3A : vector<16xi32>
    %gather3A_519 = arith.constant 1 : i32
    %gather3A_520 = arith.constant 0 : i32
    %gather3A_521 = arith.constant 0 : i32
    %gather3A_522 = tpu.memref_slice %arg6[%gather3A_519, %gather3A_520, %gather3A_521] : memref<3x64x512xf32, #tpu.memory_space<vmem>> -> memref<1x64x512xf32, #tpu.memory_space<vmem>>
    %gather3A_523 = tpu.memref_squeeze %gather3A_522 : memref<1x64x512xf32, #tpu.memory_space<vmem>> -> memref<64x512xf32, #tpu.memory_space<vmem>>
    %gather3A_524 = tpu.vector_load_idx %gather3A_523[%add3A_518, %and3A_515] : memref<64x512xf32, #tpu.memory_space<vmem>>[vector<16xi32>, vector<16xi32>], vector<16xf32>,
    %swap3A_525 = arith.constant 256 : index
    %swap3A_526 = tpu.vector_load %arg7[%swap3A_525] {strides = array<i32>} : memref<512xf32, #tpu.memory_space<vmem>>, vector<16xf32>,
    tpu.vector_store %arg7[%swap3A_525], %gather3A_524 {strides = array<i32>} : memref<512xf32, #tpu.memory_space<vmem>>, vector<16xf32>,
    %add3A_527 = arith.constant 272 : i32
    %add3A_528 = vector.broadcast %add3A_527 : i32 to vector<16xi32>
    %add3A_529 = arith.addi %add3A_528, %iota3A : vector<16xi32>
    %gather3A_530 = tpu.vector_load_idx %arg5[%add3A_529] : memref<512xi32, #tpu.memory_space<vmem>>[vector<16xi32>], vector<16xi32>,
    %add3A_531 = arith.constant 511 : i32
    %add3A_532 = vector.broadcast %add3A_531 : i32 to vector<16xi32>
    %add3A_533 = arith.addi %gather3A_530, %add3A_532 : vector<16xi32>
    %and3A_534 = arith.constant 511 : i32
    %and3A_535 = vector.broadcast %and3A_534 : i32 to vector<16xi32>
    %and3A_536 = arith.andi %add3A_533, %and3A_535 : vector<16xi32>
    %add3A_537 = arith.constant 16 : i32
    %add3A_538 = vector.broadcast %add3A_537 : i32 to vector<16xi32>
    %add3A_539 = arith.addi %add3A_538, %iota3A : vector<16xi32>
    %gather3A_540 = arith.constant 1 : i32
    %gather3A_541 = arith.constant 0 : i32
    %gather3A_542 = arith.constant 0 : i32
    %gather3A_543 = tpu.memref_slice %arg6[%gather3A_540, %gather3A_541, %gather3A_542] : memref<3x64x512xf32, #tpu.memory_space<vmem>> -> memref<1x64x512xf32, #tpu.memory_space<vmem>>
    %gather3A_544 = tpu.memref_squeeze %gather3A_543 : memref<1x64x512xf32, #tpu.memory_space<vmem>> -> memref<64x512xf32, #tpu.memory_space<vmem>>
    %gather3A_545 = tpu.vector_load_idx %gather3A_544[%add3A_539, %and3A_536] : memref<64x512xf32, #tpu.memory_space<vmem>>[vector<16xi32>, vector<16xi32>], vector<16xf32>,
    %swap3A_546 = arith.constant 272 : index
    %swap3A_547 = tpu.vector_load %arg7[%swap3A_546] {strides = array<i32>} : memref<512xf32, #tpu.memory_space<vmem>>, vector<16xf32>,
    tpu.vector_store %arg7[%swap3A_546], %gather3A_545 {strides = array<i32>} : memref<512xf32, #tpu.memory_space<vmem>>, vector<16xf32>,
    %add3A_548 = arith.constant 288 : i32
    %add3A_549 = vector.broadcast %add3A_548 : i32 to vector<16xi32>
    %add3A_550 = arith.addi %add3A_549, %iota3A : vector<16xi32>
    %gather3A_551 = tpu.vector_load_idx %arg5[%add3A_550] : memref<512xi32, #tpu.memory_space<vmem>>[vector<16xi32>], vector<16xi32>,
    %add3A_552 = arith.constant 511 : i32
    %add3A_553 = vector.broadcast %add3A_552 : i32 to vector<16xi32>
    %add3A_554 = arith.addi %gather3A_551, %add3A_553 : vector<16xi32>
    %and3A_555 = arith.constant 511 : i32
    %and3A_556 = vector.broadcast %and3A_555 : i32 to vector<16xi32>
    %and3A_557 = arith.andi %add3A_554, %and3A_556 : vector<16xi32>
    %add3A_558 = arith.constant 32 : i32
    %add3A_559 = vector.broadcast %add3A_558 : i32 to vector<16xi32>
    %add3A_560 = arith.addi %add3A_559, %iota3A : vector<16xi32>
    %gather3A_561 = arith.constant 1 : i32
    %gather3A_562 = arith.constant 0 : i32
    %gather3A_563 = arith.constant 0 : i32
    %gather3A_564 = tpu.memref_slice %arg6[%gather3A_561, %gather3A_562, %gather3A_563] : memref<3x64x512xf32, #tpu.memory_space<vmem>> -> memref<1x64x512xf32, #tpu.memory_space<vmem>>
    %gather3A_565 = tpu.memref_squeeze %gather3A_564 : memref<1x64x512xf32, #tpu.memory_space<vmem>> -> memref<64x512xf32, #tpu.memory_space<vmem>>
    %gather3A_566 = tpu.vector_load_idx %gather3A_565[%add3A_560, %and3A_557] : memref<64x512xf32, #tpu.memory_space<vmem>>[vector<16xi32>, vector<16xi32>], vector<16xf32>,
    %swap3A_567 = arith.constant 288 : index
    %swap3A_568 = tpu.vector_load %arg7[%swap3A_567] {strides = array<i32>} : memref<512xf32, #tpu.memory_space<vmem>>, vector<16xf32>,
    tpu.vector_store %arg7[%swap3A_567], %gather3A_566 {strides = array<i32>} : memref<512xf32, #tpu.memory_space<vmem>>, vector<16xf32>,
    %add3A_569 = arith.constant 304 : i32
    %add3A_570 = vector.broadcast %add3A_569 : i32 to vector<16xi32>
    %add3A_571 = arith.addi %add3A_570, %iota3A : vector<16xi32>
    %gather3A_572 = tpu.vector_load_idx %arg5[%add3A_571] : memref<512xi32, #tpu.memory_space<vmem>>[vector<16xi32>], vector<16xi32>,
    %add3A_573 = arith.constant 511 : i32
    %add3A_574 = vector.broadcast %add3A_573 : i32 to vector<16xi32>
    %add3A_575 = arith.addi %gather3A_572, %add3A_574 : vector<16xi32>
    %and3A_576 = arith.constant 511 : i32
    %and3A_577 = vector.broadcast %and3A_576 : i32 to vector<16xi32>
    %and3A_578 = arith.andi %add3A_575, %and3A_577 : vector<16xi32>
    %add3A_579 = arith.constant 48 : i32
    %add3A_580 = vector.broadcast %add3A_579 : i32 to vector<16xi32>
    %add3A_581 = arith.addi %add3A_580, %iota3A : vector<16xi32>
    %gather3A_582 = arith.constant 1 : i32
    %gather3A_583 = arith.constant 0 : i32
    %gather3A_584 = arith.constant 0 : i32
    %gather3A_585 = tpu.memref_slice %arg6[%gather3A_582, %gather3A_583, %gather3A_584] : memref<3x64x512xf32, #tpu.memory_space<vmem>> -> memref<1x64x512xf32, #tpu.memory_space<vmem>>
    %gather3A_586 = tpu.memref_squeeze %gather3A_585 : memref<1x64x512xf32, #tpu.memory_space<vmem>> -> memref<64x512xf32, #tpu.memory_space<vmem>>
    %gather3A_587 = tpu.vector_load_idx %gather3A_586[%add3A_581, %and3A_578] : memref<64x512xf32, #tpu.memory_space<vmem>>[vector<16xi32>, vector<16xi32>], vector<16xf32>,
    %swap3A_588 = arith.constant 304 : index
    %swap3A_589 = tpu.vector_load %arg7[%swap3A_588] {strides = array<i32>} : memref<512xf32, #tpu.memory_space<vmem>>, vector<16xf32>,
    tpu.vector_store %arg7[%swap3A_588], %gather3A_587 {strides = array<i32>} : memref<512xf32, #tpu.memory_space<vmem>>, vector<16xf32>,
    %add3A_590 = arith.constant 448 : i32
    %add3A_591 = arith.addi %mul3A_2, %add3A_590 : i32
    %dma_start3A_592 = arith.constant 1 : i32
    %dma_start3A_593 = arith.constant 0 : i32
    %dma_start3A_594 = arith.constant 0 : i32
    %dma_start3A_595 = tpu.memref_slice %arg6[%dma_start3A_592, %dma_start3A_593, %dma_start3A_594] : memref<3x64x512xf32, #tpu.memory_space<vmem>> -> memref<1x64x512xf32, #tpu.memory_space<vmem>>
    %dma_start3A_596 = tpu.memref_squeeze %dma_start3A_595 : memref<1x64x512xf32, #tpu.memory_space<vmem>> -> memref<64x512xf32, #tpu.memory_space<vmem>>
    %dma_start3A_597 = arith.constant 0 : i32
    %dma_start3A_598 = tpu.memref_slice %arg2[%add3A_591, %dma_start3A_597] : memref<16384x512xf32, #tpu.memory_space<hbm>> -> memref<64x512xf32, #tpu.memory_space<hbm>>
    %dma_start3A_599 = arith.constant 0 : i32
    %dma_start3A_600 = arith.constant 0 : i32
    %dma_start3A_601 = tpu.memref_slice %arg6[%dma_start3A_592, %dma_start3A_599, %dma_start3A_600] : memref<3x64x512xf32, #tpu.memory_space<vmem>> -> memref<1x64x512xf32, #tpu.memory_space<vmem>>
    %dma_start3A_602 = tpu.memref_squeeze %dma_start3A_601 : memref<1x64x512xf32, #tpu.memory_space<vmem>> -> memref<64x512xf32, #tpu.memory_space<vmem>>
    %dma_start3A_603 = arith.constant 0 : i32
    %dma_start3A_604 = tpu.memref_slice %arg2[%add3A_591, %dma_start3A_603] : memref<16384x512xf32, #tpu.memory_space<hbm>> -> memref<64x512xf32, #tpu.memory_space<hbm>>
    tpu.enqueue_dma source(%dma_start3A_604 : memref<64x512xf32, #tpu.memory_space<hbm>>) target(%dma_start3A_602 : memref<64x512xf32, #tpu.memory_space<vmem>>) target_semaphore(%arg9 : memref<!tpu.dma_semaphore, #tpu.memory_space<semaphore_mem>>)
    %dma_wait3A_605 = arith.constant 2 : i32
    %dma_wait3A_606 = arith.constant 0 : i32
    %dma_wait3A_607 = arith.constant 0 : i32
    %dma_wait3A_608 = tpu.memref_slice %arg6[%dma_wait3A_605, %dma_wait3A_606, %dma_wait3A_607] : memref<3x64x512xf32, #tpu.memory_space<vmem>> -> memref<1x64x512xf32, #tpu.memory_space<vmem>>
    %dma_wait3A_609 = tpu.memref_squeeze %dma_wait3A_608 : memref<1x64x512xf32, #tpu.memory_space<vmem>> -> memref<64x512xf32, #tpu.memory_space<vmem>>
    %dma_wait3A_610 = arith.constant 0 : i32
    %dma_wait3A_611 = tpu.memref_slice %arg2[%add3A_367, %dma_wait3A_610] : memref<16384x512xf32, #tpu.memory_space<hbm>> -> memref<64x512xf32, #tpu.memory_space<hbm>>
    %dma_wait3A_612 = arith.constant 0 : i32
    %dma_wait3A_613 = arith.constant 0 : i32
    %dma_wait3A_614 = tpu.memref_slice %arg6[%dma_wait3A_605, %dma_wait3A_612, %dma_wait3A_613] : memref<3x64x512xf32, #tpu.memory_space<vmem>> -> memref<1x64x512xf32, #tpu.memory_space<vmem>>
    %dma_wait3A_615 = tpu.memref_squeeze %dma_wait3A_614 : memref<1x64x512xf32, #tpu.memory_space<vmem>> -> memref<64x512xf32, #tpu.memory_space<vmem>>
    %dma_wait3A_616 = arith.constant 0 : i32
    %dma_wait3A_617 = tpu.memref_slice %arg2[%add3A_367, %dma_wait3A_616] : memref<16384x512xf32, #tpu.memory_space<hbm>> -> memref<64x512xf32, #tpu.memory_space<hbm>>
    tpu.wait_dma2 semaphore(%arg9 : memref<!tpu.dma_semaphore, #tpu.memory_space<semaphore_mem>>) src(%dma_wait3A_617 : memref<64x512xf32, #tpu.memory_space<hbm>>) dst(%dma_wait3A_615 : memref<64x512xf32, #tpu.memory_space<vmem>>)
    %add3A_618 = arith.constant 320 : i32
    %add3A_619 = vector.broadcast %add3A_618 : i32 to vector<16xi32>
    %add3A_620 = arith.addi %add3A_619, %iota3A : vector<16xi32>
    %gather3A_621 = tpu.vector_load_idx %arg5[%add3A_620] : memref<512xi32, #tpu.memory_space<vmem>>[vector<16xi32>], vector<16xi32>,
    %add3A_622 = arith.constant 511 : i32
    %add3A_623 = vector.broadcast %add3A_622 : i32 to vector<16xi32>
    %add3A_624 = arith.addi %gather3A_621, %add3A_623 : vector<16xi32>
    %and3A_625 = arith.constant 511 : i32
    %and3A_626 = vector.broadcast %and3A_625 : i32 to vector<16xi32>
    %and3A_627 = arith.andi %add3A_624, %and3A_626 : vector<16xi32>
    %add3A_628 = arith.constant 0 : i32
    %add3A_629 = vector.broadcast %add3A_628 : i32 to vector<16xi32>
    %add3A_630 = arith.addi %add3A_629, %iota3A : vector<16xi32>
    %gather3A_631 = arith.constant 2 : i32
    %gather3A_632 = arith.constant 0 : i32
    %gather3A_633 = arith.constant 0 : i32
    %gather3A_634 = tpu.memref_slice %arg6[%gather3A_631, %gather3A_632, %gather3A_633] : memref<3x64x512xf32, #tpu.memory_space<vmem>> -> memref<1x64x512xf32, #tpu.memory_space<vmem>>
    %gather3A_635 = tpu.memref_squeeze %gather3A_634 : memref<1x64x512xf32, #tpu.memory_space<vmem>> -> memref<64x512xf32, #tpu.memory_space<vmem>>
    %gather3A_636 = tpu.vector_load_idx %gather3A_635[%add3A_630, %and3A_627] : memref<64x512xf32, #tpu.memory_space<vmem>>[vector<16xi32>, vector<16xi32>], vector<16xf32>,
    %swap3A_637 = arith.constant 320 : index
    %swap3A_638 = tpu.vector_load %arg7[%swap3A_637] {strides = array<i32>} : memref<512xf32, #tpu.memory_space<vmem>>, vector<16xf32>,
    tpu.vector_store %arg7[%swap3A_637], %gather3A_636 {strides = array<i32>} : memref<512xf32, #tpu.memory_space<vmem>>, vector<16xf32>,
    %add3A_639 = arith.constant 336 : i32
    %add3A_640 = vector.broadcast %add3A_639 : i32 to vector<16xi32>
    %add3A_641 = arith.addi %add3A_640, %iota3A : vector<16xi32>
    %gather3A_642 = tpu.vector_load_idx %arg5[%add3A_641] : memref<512xi32, #tpu.memory_space<vmem>>[vector<16xi32>], vector<16xi32>,
    %add3A_643 = arith.constant 511 : i32
    %add3A_644 = vector.broadcast %add3A_643 : i32 to vector<16xi32>
    %add3A_645 = arith.addi %gather3A_642, %add3A_644 : vector<16xi32>
    %and3A_646 = arith.constant 511 : i32
    %and3A_647 = vector.broadcast %and3A_646 : i32 to vector<16xi32>
    %and3A_648 = arith.andi %add3A_645, %and3A_647 : vector<16xi32>
    %add3A_649 = arith.constant 16 : i32
    %add3A_650 = vector.broadcast %add3A_649 : i32 to vector<16xi32>
    %add3A_651 = arith.addi %add3A_650, %iota3A : vector<16xi32>
    %gather3A_652 = arith.constant 2 : i32
    %gather3A_653 = arith.constant 0 : i32
    %gather3A_654 = arith.constant 0 : i32
    %gather3A_655 = tpu.memref_slice %arg6[%gather3A_652, %gather3A_653, %gather3A_654] : memref<3x64x512xf32, #tpu.memory_space<vmem>> -> memref<1x64x512xf32, #tpu.memory_space<vmem>>
    %gather3A_656 = tpu.memref_squeeze %gather3A_655 : memref<1x64x512xf32, #tpu.memory_space<vmem>> -> memref<64x512xf32, #tpu.memory_space<vmem>>
    %gather3A_657 = tpu.vector_load_idx %gather3A_656[%add3A_651, %and3A_648] : memref<64x512xf32, #tpu.memory_space<vmem>>[vector<16xi32>, vector<16xi32>], vector<16xf32>,
    %swap3A_658 = arith.constant 336 : index
    %swap3A_659 = tpu.vector_load %arg7[%swap3A_658] {strides = array<i32>} : memref<512xf32, #tpu.memory_space<vmem>>, vector<16xf32>,
    tpu.vector_store %arg7[%swap3A_658], %gather3A_657 {strides = array<i32>} : memref<512xf32, #tpu.memory_space<vmem>>, vector<16xf32>,
    %add3A_660 = arith.constant 352 : i32
    %add3A_661 = vector.broadcast %add3A_660 : i32 to vector<16xi32>
    %add3A_662 = arith.addi %add3A_661, %iota3A : vector<16xi32>
    %gather3A_663 = tpu.vector_load_idx %arg5[%add3A_662] : memref<512xi32, #tpu.memory_space<vmem>>[vector<16xi32>], vector<16xi32>,
    %add3A_664 = arith.constant 511 : i32
    %add3A_665 = vector.broadcast %add3A_664 : i32 to vector<16xi32>
    %add3A_666 = arith.addi %gather3A_663, %add3A_665 : vector<16xi32>
    %and3A_667 = arith.constant 511 : i32
    %and3A_668 = vector.broadcast %and3A_667 : i32 to vector<16xi32>
    %and3A_669 = arith.andi %add3A_666, %and3A_668 : vector<16xi32>
    %add3A_670 = arith.constant 32 : i32
    %add3A_671 = vector.broadcast %add3A_670 : i32 to vector<16xi32>
    %add3A_672 = arith.addi %add3A_671, %iota3A : vector<16xi32>
    %gather3A_673 = arith.constant 2 : i32
    %gather3A_674 = arith.constant 0 : i32
    %gather3A_675 = arith.constant 0 : i32
    %gather3A_676 = tpu.memref_slice %arg6[%gather3A_673, %gather3A_674, %gather3A_675] : memref<3x64x512xf32, #tpu.memory_space<vmem>> -> memref<1x64x512xf32, #tpu.memory_space<vmem>>
    %gather3A_677 = tpu.memref_squeeze %gather3A_676 : memref<1x64x512xf32, #tpu.memory_space<vmem>> -> memref<64x512xf32, #tpu.memory_space<vmem>>
    %gather3A_678 = tpu.vector_load_idx %gather3A_677[%add3A_672, %and3A_669] : memref<64x512xf32, #tpu.memory_space<vmem>>[vector<16xi32>, vector<16xi32>], vector<16xf32>,
    %swap3A_679 = arith.constant 352 : index
    %swap3A_680 = tpu.vector_load %arg7[%swap3A_679] {strides = array<i32>} : memref<512xf32, #tpu.memory_space<vmem>>, vector<16xf32>,
    tpu.vector_store %arg7[%swap3A_679], %gather3A_678 {strides = array<i32>} : memref<512xf32, #tpu.memory_space<vmem>>, vector<16xf32>,
    %add3A_681 = arith.constant 368 : i32
    %add3A_682 = vector.broadcast %add3A_681 : i32 to vector<16xi32>
    %add3A_683 = arith.addi %add3A_682, %iota3A : vector<16xi32>
    %gather3A_684 = tpu.vector_load_idx %arg5[%add3A_683] : memref<512xi32, #tpu.memory_space<vmem>>[vector<16xi32>], vector<16xi32>,
    %add3A_685 = arith.constant 511 : i32
    %add3A_686 = vector.broadcast %add3A_685 : i32 to vector<16xi32>
    %add3A_687 = arith.addi %gather3A_684, %add3A_686 : vector<16xi32>
    %and3A_688 = arith.constant 511 : i32
    %and3A_689 = vector.broadcast %and3A_688 : i32 to vector<16xi32>
    %and3A_690 = arith.andi %add3A_687, %and3A_689 : vector<16xi32>
    %add3A_691 = arith.constant 48 : i32
    %add3A_692 = vector.broadcast %add3A_691 : i32 to vector<16xi32>
    %add3A_693 = arith.addi %add3A_692, %iota3A : vector<16xi32>
    %gather3A_694 = arith.constant 2 : i32
    %gather3A_695 = arith.constant 0 : i32
    %gather3A_696 = arith.constant 0 : i32
    %gather3A_697 = tpu.memref_slice %arg6[%gather3A_694, %gather3A_695, %gather3A_696] : memref<3x64x512xf32, #tpu.memory_space<vmem>> -> memref<1x64x512xf32, #tpu.memory_space<vmem>>
    %gather3A_698 = tpu.memref_squeeze %gather3A_697 : memref<1x64x512xf32, #tpu.memory_space<vmem>> -> memref<64x512xf32, #tpu.memory_space<vmem>>
    %gather3A_699 = tpu.vector_load_idx %gather3A_698[%add3A_693, %and3A_690] : memref<64x512xf32, #tpu.memory_space<vmem>>[vector<16xi32>, vector<16xi32>], vector<16xf32>,
    %swap3A_700 = arith.constant 368 : index
    %swap3A_701 = tpu.vector_load %arg7[%swap3A_700] {strides = array<i32>} : memref<512xf32, #tpu.memory_space<vmem>>, vector<16xf32>,
    tpu.vector_store %arg7[%swap3A_700], %gather3A_699 {strides = array<i32>} : memref<512xf32, #tpu.memory_space<vmem>>, vector<16xf32>,
    %dma_wait3A_702 = arith.constant 0 : i32
    %dma_wait3A_703 = arith.constant 0 : i32
    %dma_wait3A_704 = arith.constant 0 : i32
    %dma_wait3A_705 = tpu.memref_slice %arg6[%dma_wait3A_702, %dma_wait3A_703, %dma_wait3A_704] : memref<3x64x512xf32, #tpu.memory_space<vmem>> -> memref<1x64x512xf32, #tpu.memory_space<vmem>>
    %dma_wait3A_706 = tpu.memref_squeeze %dma_wait3A_705 : memref<1x64x512xf32, #tpu.memory_space<vmem>> -> memref<64x512xf32, #tpu.memory_space<vmem>>
    %dma_wait3A_707 = arith.constant 0 : i32
    %dma_wait3A_708 = tpu.memref_slice %arg2[%add3A_479, %dma_wait3A_707] : memref<16384x512xf32, #tpu.memory_space<hbm>> -> memref<64x512xf32, #tpu.memory_space<hbm>>
    %dma_wait3A_709 = arith.constant 0 : i32
    %dma_wait3A_710 = arith.constant 0 : i32
    %dma_wait3A_711 = tpu.memref_slice %arg6[%dma_wait3A_702, %dma_wait3A_709, %dma_wait3A_710] : memref<3x64x512xf32, #tpu.memory_space<vmem>> -> memref<1x64x512xf32, #tpu.memory_space<vmem>>
    %dma_wait3A_712 = tpu.memref_squeeze %dma_wait3A_711 : memref<1x64x512xf32, #tpu.memory_space<vmem>> -> memref<64x512xf32, #tpu.memory_space<vmem>>
    %dma_wait3A_713 = arith.constant 0 : i32
    %dma_wait3A_714 = tpu.memref_slice %arg2[%add3A_479, %dma_wait3A_713] : memref<16384x512xf32, #tpu.memory_space<hbm>> -> memref<64x512xf32, #tpu.memory_space<hbm>>
    tpu.wait_dma2 semaphore(%arg9 : memref<!tpu.dma_semaphore, #tpu.memory_space<semaphore_mem>>) src(%dma_wait3A_714 : memref<64x512xf32, #tpu.memory_space<hbm>>) dst(%dma_wait3A_712 : memref<64x512xf32, #tpu.memory_space<vmem>>)
    %add3A_715 = arith.constant 384 : i32
    %add3A_716 = vector.broadcast %add3A_715 : i32 to vector<16xi32>
    %add3A_717 = arith.addi %add3A_716, %iota3A : vector<16xi32>
    %gather3A_718 = tpu.vector_load_idx %arg5[%add3A_717] : memref<512xi32, #tpu.memory_space<vmem>>[vector<16xi32>], vector<16xi32>,
    %add3A_719 = arith.constant 511 : i32
    %add3A_720 = vector.broadcast %add3A_719 : i32 to vector<16xi32>
    %add3A_721 = arith.addi %gather3A_718, %add3A_720 : vector<16xi32>
    %and3A_722 = arith.constant 511 : i32
    %and3A_723 = vector.broadcast %and3A_722 : i32 to vector<16xi32>
    %and3A_724 = arith.andi %add3A_721, %and3A_723 : vector<16xi32>
    %add3A_725 = arith.constant 0 : i32
    %add3A_726 = vector.broadcast %add3A_725 : i32 to vector<16xi32>
    %add3A_727 = arith.addi %add3A_726, %iota3A : vector<16xi32>
    %gather3A_728 = arith.constant 0 : i32
    %gather3A_729 = arith.constant 0 : i32
    %gather3A_730 = arith.constant 0 : i32
    %gather3A_731 = tpu.memref_slice %arg6[%gather3A_728, %gather3A_729, %gather3A_730] : memref<3x64x512xf32, #tpu.memory_space<vmem>> -> memref<1x64x512xf32, #tpu.memory_space<vmem>>
    %gather3A_732 = tpu.memref_squeeze %gather3A_731 : memref<1x64x512xf32, #tpu.memory_space<vmem>> -> memref<64x512xf32, #tpu.memory_space<vmem>>
    %gather3A_733 = tpu.vector_load_idx %gather3A_732[%add3A_727, %and3A_724] : memref<64x512xf32, #tpu.memory_space<vmem>>[vector<16xi32>, vector<16xi32>], vector<16xf32>,
    %swap3A_734 = arith.constant 384 : index
    %swap3A_735 = tpu.vector_load %arg7[%swap3A_734] {strides = array<i32>} : memref<512xf32, #tpu.memory_space<vmem>>, vector<16xf32>,
    tpu.vector_store %arg7[%swap3A_734], %gather3A_733 {strides = array<i32>} : memref<512xf32, #tpu.memory_space<vmem>>, vector<16xf32>,
    %add3A_736 = arith.constant 400 : i32
    %add3A_737 = vector.broadcast %add3A_736 : i32 to vector<16xi32>
    %add3A_738 = arith.addi %add3A_737, %iota3A : vector<16xi32>
    %gather3A_739 = tpu.vector_load_idx %arg5[%add3A_738] : memref<512xi32, #tpu.memory_space<vmem>>[vector<16xi32>], vector<16xi32>,
    %add3A_740 = arith.constant 511 : i32
    %add3A_741 = vector.broadcast %add3A_740 : i32 to vector<16xi32>
    %add3A_742 = arith.addi %gather3A_739, %add3A_741 : vector<16xi32>
    %and3A_743 = arith.constant 511 : i32
    %and3A_744 = vector.broadcast %and3A_743 : i32 to vector<16xi32>
    %and3A_745 = arith.andi %add3A_742, %and3A_744 : vector<16xi32>
    %add3A_746 = arith.constant 16 : i32
    %add3A_747 = vector.broadcast %add3A_746 : i32 to vector<16xi32>
    %add3A_748 = arith.addi %add3A_747, %iota3A : vector<16xi32>
    %gather3A_749 = arith.constant 0 : i32
    %gather3A_750 = arith.constant 0 : i32
    %gather3A_751 = arith.constant 0 : i32
    %gather3A_752 = tpu.memref_slice %arg6[%gather3A_749, %gather3A_750, %gather3A_751] : memref<3x64x512xf32, #tpu.memory_space<vmem>> -> memref<1x64x512xf32, #tpu.memory_space<vmem>>
    %gather3A_753 = tpu.memref_squeeze %gather3A_752 : memref<1x64x512xf32, #tpu.memory_space<vmem>> -> memref<64x512xf32, #tpu.memory_space<vmem>>
    %gather3A_754 = tpu.vector_load_idx %gather3A_753[%add3A_748, %and3A_745] : memref<64x512xf32, #tpu.memory_space<vmem>>[vector<16xi32>, vector<16xi32>], vector<16xf32>,
    %swap3A_755 = arith.constant 400 : index
    %swap3A_756 = tpu.vector_load %arg7[%swap3A_755] {strides = array<i32>} : memref<512xf32, #tpu.memory_space<vmem>>, vector<16xf32>,
    tpu.vector_store %arg7[%swap3A_755], %gather3A_754 {strides = array<i32>} : memref<512xf32, #tpu.memory_space<vmem>>, vector<16xf32>,
    %add3A_757 = arith.constant 416 : i32
    %add3A_758 = vector.broadcast %add3A_757 : i32 to vector<16xi32>
    %add3A_759 = arith.addi %add3A_758, %iota3A : vector<16xi32>
    %gather3A_760 = tpu.vector_load_idx %arg5[%add3A_759] : memref<512xi32, #tpu.memory_space<vmem>>[vector<16xi32>], vector<16xi32>,
    %add3A_761 = arith.constant 511 : i32
    %add3A_762 = vector.broadcast %add3A_761 : i32 to vector<16xi32>
    %add3A_763 = arith.addi %gather3A_760, %add3A_762 : vector<16xi32>
    %and3A_764 = arith.constant 511 : i32
    %and3A_765 = vector.broadcast %and3A_764 : i32 to vector<16xi32>
    %and3A_766 = arith.andi %add3A_763, %and3A_765 : vector<16xi32>
    %add3A_767 = arith.constant 32 : i32
    %add3A_768 = vector.broadcast %add3A_767 : i32 to vector<16xi32>
    %add3A_769 = arith.addi %add3A_768, %iota3A : vector<16xi32>
    %gather3A_770 = arith.constant 0 : i32
    %gather3A_771 = arith.constant 0 : i32
    %gather3A_772 = arith.constant 0 : i32
    %gather3A_773 = tpu.memref_slice %arg6[%gather3A_770, %gather3A_771, %gather3A_772] : memref<3x64x512xf32, #tpu.memory_space<vmem>> -> memref<1x64x512xf32, #tpu.memory_space<vmem>>
    %gather3A_774 = tpu.memref_squeeze %gather3A_773 : memref<1x64x512xf32, #tpu.memory_space<vmem>> -> memref<64x512xf32, #tpu.memory_space<vmem>>
    %gather3A_775 = tpu.vector_load_idx %gather3A_774[%add3A_769, %and3A_766] : memref<64x512xf32, #tpu.memory_space<vmem>>[vector<16xi32>, vector<16xi32>], vector<16xf32>,
    %swap3A_776 = arith.constant 416 : index
    %swap3A_777 = tpu.vector_load %arg7[%swap3A_776] {strides = array<i32>} : memref<512xf32, #tpu.memory_space<vmem>>, vector<16xf32>,
    tpu.vector_store %arg7[%swap3A_776], %gather3A_775 {strides = array<i32>} : memref<512xf32, #tpu.memory_space<vmem>>, vector<16xf32>,
    %add3A_778 = arith.constant 432 : i32
    %add3A_779 = vector.broadcast %add3A_778 : i32 to vector<16xi32>
    %add3A_780 = arith.addi %add3A_779, %iota3A : vector<16xi32>
    %gather3A_781 = tpu.vector_load_idx %arg5[%add3A_780] : memref<512xi32, #tpu.memory_space<vmem>>[vector<16xi32>], vector<16xi32>,
    %add3A_782 = arith.constant 511 : i32
    %add3A_783 = vector.broadcast %add3A_782 : i32 to vector<16xi32>
    %add3A_784 = arith.addi %gather3A_781, %add3A_783 : vector<16xi32>
    %and3A_785 = arith.constant 511 : i32
    %and3A_786 = vector.broadcast %and3A_785 : i32 to vector<16xi32>
    %and3A_787 = arith.andi %add3A_784, %and3A_786 : vector<16xi32>
    %add3A_788 = arith.constant 48 : i32
    %add3A_789 = vector.broadcast %add3A_788 : i32 to vector<16xi32>
    %add3A_790 = arith.addi %add3A_789, %iota3A : vector<16xi32>
    %gather3A_791 = arith.constant 0 : i32
    %gather3A_792 = arith.constant 0 : i32
    %gather3A_793 = arith.constant 0 : i32
    %gather3A_794 = tpu.memref_slice %arg6[%gather3A_791, %gather3A_792, %gather3A_793] : memref<3x64x512xf32, #tpu.memory_space<vmem>> -> memref<1x64x512xf32, #tpu.memory_space<vmem>>
    %gather3A_795 = tpu.memref_squeeze %gather3A_794 : memref<1x64x512xf32, #tpu.memory_space<vmem>> -> memref<64x512xf32, #tpu.memory_space<vmem>>
    %gather3A_796 = tpu.vector_load_idx %gather3A_795[%add3A_790, %and3A_787] : memref<64x512xf32, #tpu.memory_space<vmem>>[vector<16xi32>, vector<16xi32>], vector<16xf32>,
    %swap3A_797 = arith.constant 432 : index
    %swap3A_798 = tpu.vector_load %arg7[%swap3A_797] {strides = array<i32>} : memref<512xf32, #tpu.memory_space<vmem>>, vector<16xf32>,
    tpu.vector_store %arg7[%swap3A_797], %gather3A_796 {strides = array<i32>} : memref<512xf32, #tpu.memory_space<vmem>>, vector<16xf32>,
    %dma_wait3A_799 = arith.constant 1 : i32
    %dma_wait3A_800 = arith.constant 0 : i32
    %dma_wait3A_801 = arith.constant 0 : i32
    %dma_wait3A_802 = tpu.memref_slice %arg6[%dma_wait3A_799, %dma_wait3A_800, %dma_wait3A_801] : memref<3x64x512xf32, #tpu.memory_space<vmem>> -> memref<1x64x512xf32, #tpu.memory_space<vmem>>
    %dma_wait3A_803 = tpu.memref_squeeze %dma_wait3A_802 : memref<1x64x512xf32, #tpu.memory_space<vmem>> -> memref<64x512xf32, #tpu.memory_space<vmem>>
    %dma_wait3A_804 = arith.constant 0 : i32
    %dma_wait3A_805 = tpu.memref_slice %arg2[%add3A_591, %dma_wait3A_804] : memref<16384x512xf32, #tpu.memory_space<hbm>> -> memref<64x512xf32, #tpu.memory_space<hbm>>
    %dma_wait3A_806 = arith.constant 0 : i32
    %dma_wait3A_807 = arith.constant 0 : i32
    %dma_wait3A_808 = tpu.memref_slice %arg6[%dma_wait3A_799, %dma_wait3A_806, %dma_wait3A_807] : memref<3x64x512xf32, #tpu.memory_space<vmem>> -> memref<1x64x512xf32, #tpu.memory_space<vmem>>
    %dma_wait3A_809 = tpu.memref_squeeze %dma_wait3A_808 : memref<1x64x512xf32, #tpu.memory_space<vmem>> -> memref<64x512xf32, #tpu.memory_space<vmem>>
    %dma_wait3A_810 = arith.constant 0 : i32
    %dma_wait3A_811 = tpu.memref_slice %arg2[%add3A_591, %dma_wait3A_810] : memref<16384x512xf32, #tpu.memory_space<hbm>> -> memref<64x512xf32, #tpu.memory_space<hbm>>
    tpu.wait_dma2 semaphore(%arg9 : memref<!tpu.dma_semaphore, #tpu.memory_space<semaphore_mem>>) src(%dma_wait3A_811 : memref<64x512xf32, #tpu.memory_space<hbm>>) dst(%dma_wait3A_809 : memref<64x512xf32, #tpu.memory_space<vmem>>)
    %add3A_812 = arith.constant 448 : i32
    %add3A_813 = vector.broadcast %add3A_812 : i32 to vector<16xi32>
    %add3A_814 = arith.addi %add3A_813, %iota3A : vector<16xi32>
    %gather3A_815 = tpu.vector_load_idx %arg5[%add3A_814] : memref<512xi32, #tpu.memory_space<vmem>>[vector<16xi32>], vector<16xi32>,
    %add3A_816 = arith.constant 511 : i32
    %add3A_817 = vector.broadcast %add3A_816 : i32 to vector<16xi32>
    %add3A_818 = arith.addi %gather3A_815, %add3A_817 : vector<16xi32>
    %and3A_819 = arith.constant 511 : i32
    %and3A_820 = vector.broadcast %and3A_819 : i32 to vector<16xi32>
    %and3A_821 = arith.andi %add3A_818, %and3A_820 : vector<16xi32>
    %add3A_822 = arith.constant 0 : i32
    %add3A_823 = vector.broadcast %add3A_822 : i32 to vector<16xi32>
    %add3A_824 = arith.addi %add3A_823, %iota3A : vector<16xi32>
    %gather3A_825 = arith.constant 1 : i32
    %gather3A_826 = arith.constant 0 : i32
    %gather3A_827 = arith.constant 0 : i32
    %gather3A_828 = tpu.memref_slice %arg6[%gather3A_825, %gather3A_826, %gather3A_827] : memref<3x64x512xf32, #tpu.memory_space<vmem>> -> memref<1x64x512xf32, #tpu.memory_space<vmem>>
    %gather3A_829 = tpu.memref_squeeze %gather3A_828 : memref<1x64x512xf32, #tpu.memory_space<vmem>> -> memref<64x512xf32, #tpu.memory_space<vmem>>
    %gather3A_830 = tpu.vector_load_idx %gather3A_829[%add3A_824, %and3A_821] : memref<64x512xf32, #tpu.memory_space<vmem>>[vector<16xi32>, vector<16xi32>], vector<16xf32>,
    %swap3A_831 = arith.constant 448 : index
    %swap3A_832 = tpu.vector_load %arg7[%swap3A_831] {strides = array<i32>} : memref<512xf32, #tpu.memory_space<vmem>>, vector<16xf32>,
    tpu.vector_store %arg7[%swap3A_831], %gather3A_830 {strides = array<i32>} : memref<512xf32, #tpu.memory_space<vmem>>, vector<16xf32>,
    %add3A_833 = arith.constant 464 : i32
    %add3A_834 = vector.broadcast %add3A_833 : i32 to vector<16xi32>
    %add3A_835 = arith.addi %add3A_834, %iota3A : vector<16xi32>
    %gather3A_836 = tpu.vector_load_idx %arg5[%add3A_835] : memref<512xi32, #tpu.memory_space<vmem>>[vector<16xi32>], vector<16xi32>,
    %add3A_837 = arith.constant 511 : i32
    %add3A_838 = vector.broadcast %add3A_837 : i32 to vector<16xi32>
    %add3A_839 = arith.addi %gather3A_836, %add3A_838 : vector<16xi32>
    %and3A_840 = arith.constant 511 : i32
    %and3A_841 = vector.broadcast %and3A_840 : i32 to vector<16xi32>
    %and3A_842 = arith.andi %add3A_839, %and3A_841 : vector<16xi32>
    %add3A_843 = arith.constant 16 : i32
    %add3A_844 = vector.broadcast %add3A_843 : i32 to vector<16xi32>
    %add3A_845 = arith.addi %add3A_844, %iota3A : vector<16xi32>
    %gather3A_846 = arith.constant 1 : i32
    %gather3A_847 = arith.constant 0 : i32
    %gather3A_848 = arith.constant 0 : i32
    %gather3A_849 = tpu.memref_slice %arg6[%gather3A_846, %gather3A_847, %gather3A_848] : memref<3x64x512xf32, #tpu.memory_space<vmem>> -> memref<1x64x512xf32, #tpu.memory_space<vmem>>
    %gather3A_850 = tpu.memref_squeeze %gather3A_849 : memref<1x64x512xf32, #tpu.memory_space<vmem>> -> memref<64x512xf32, #tpu.memory_space<vmem>>
    %gather3A_851 = tpu.vector_load_idx %gather3A_850[%add3A_845, %and3A_842] : memref<64x512xf32, #tpu.memory_space<vmem>>[vector<16xi32>, vector<16xi32>], vector<16xf32>,
    %swap3A_852 = arith.constant 464 : index
    %swap3A_853 = tpu.vector_load %arg7[%swap3A_852] {strides = array<i32>} : memref<512xf32, #tpu.memory_space<vmem>>, vector<16xf32>,
    tpu.vector_store %arg7[%swap3A_852], %gather3A_851 {strides = array<i32>} : memref<512xf32, #tpu.memory_space<vmem>>, vector<16xf32>,
    %add3A_854 = arith.constant 480 : i32
    %add3A_855 = vector.broadcast %add3A_854 : i32 to vector<16xi32>
    %add3A_856 = arith.addi %add3A_855, %iota3A : vector<16xi32>
    %gather3A_857 = tpu.vector_load_idx %arg5[%add3A_856] : memref<512xi32, #tpu.memory_space<vmem>>[vector<16xi32>], vector<16xi32>,
    %add3A_858 = arith.constant 511 : i32
    %add3A_859 = vector.broadcast %add3A_858 : i32 to vector<16xi32>
    %add3A_860 = arith.addi %gather3A_857, %add3A_859 : vector<16xi32>
    %and3A_861 = arith.constant 511 : i32
    %and3A_862 = vector.broadcast %and3A_861 : i32 to vector<16xi32>
    %and3A_863 = arith.andi %add3A_860, %and3A_862 : vector<16xi32>
    %add3A_864 = arith.constant 32 : i32
    %add3A_865 = vector.broadcast %add3A_864 : i32 to vector<16xi32>
    %add3A_866 = arith.addi %add3A_865, %iota3A : vector<16xi32>
    %gather3A_867 = arith.constant 1 : i32
    %gather3A_868 = arith.constant 0 : i32
    %gather3A_869 = arith.constant 0 : i32
    %gather3A_870 = tpu.memref_slice %arg6[%gather3A_867, %gather3A_868, %gather3A_869] : memref<3x64x512xf32, #tpu.memory_space<vmem>> -> memref<1x64x512xf32, #tpu.memory_space<vmem>>
    %gather3A_871 = tpu.memref_squeeze %gather3A_870 : memref<1x64x512xf32, #tpu.memory_space<vmem>> -> memref<64x512xf32, #tpu.memory_space<vmem>>
    %gather3A_872 = tpu.vector_load_idx %gather3A_871[%add3A_866, %and3A_863] : memref<64x512xf32, #tpu.memory_space<vmem>>[vector<16xi32>, vector<16xi32>], vector<16xf32>,
    %swap3A_873 = arith.constant 480 : index
    %swap3A_874 = tpu.vector_load %arg7[%swap3A_873] {strides = array<i32>} : memref<512xf32, #tpu.memory_space<vmem>>, vector<16xf32>,
    tpu.vector_store %arg7[%swap3A_873], %gather3A_872 {strides = array<i32>} : memref<512xf32, #tpu.memory_space<vmem>>, vector<16xf32>,
    %add3A_875 = arith.constant 496 : i32
    %add3A_876 = vector.broadcast %add3A_875 : i32 to vector<16xi32>
    %add3A_877 = arith.addi %add3A_876, %iota3A : vector<16xi32>
    %gather3A_878 = tpu.vector_load_idx %arg5[%add3A_877] : memref<512xi32, #tpu.memory_space<vmem>>[vector<16xi32>], vector<16xi32>,
    %add3A_879 = arith.constant 511 : i32
    %add3A_880 = vector.broadcast %add3A_879 : i32 to vector<16xi32>
    %add3A_881 = arith.addi %gather3A_878, %add3A_880 : vector<16xi32>
    %and3A_882 = arith.constant 511 : i32
    %and3A_883 = vector.broadcast %and3A_882 : i32 to vector<16xi32>
    %and3A_884 = arith.andi %add3A_881, %and3A_883 : vector<16xi32>
    %add3A_885 = arith.constant 48 : i32
    %add3A_886 = vector.broadcast %add3A_885 : i32 to vector<16xi32>
    %add3A_887 = arith.addi %add3A_886, %iota3A : vector<16xi32>
    %gather3A_888 = arith.constant 1 : i32
    %gather3A_889 = arith.constant 0 : i32
    %gather3A_890 = arith.constant 0 : i32
    %gather3A_891 = tpu.memref_slice %arg6[%gather3A_888, %gather3A_889, %gather3A_890] : memref<3x64x512xf32, #tpu.memory_space<vmem>> -> memref<1x64x512xf32, #tpu.memory_space<vmem>>
    %gather3A_892 = tpu.memref_squeeze %gather3A_891 : memref<1x64x512xf32, #tpu.memory_space<vmem>> -> memref<64x512xf32, #tpu.memory_space<vmem>>
    %gather3A_893 = tpu.vector_load_idx %gather3A_892[%add3A_887, %and3A_884] : memref<64x512xf32, #tpu.memory_space<vmem>>[vector<16xi32>, vector<16xi32>], vector<16xf32>,
    %swap3A_894 = arith.constant 496 : index
    %swap3A_895 = tpu.vector_load %arg7[%swap3A_894] {strides = array<i32>} : memref<512xf32, #tpu.memory_space<vmem>>, vector<16xf32>,
    tpu.vector_store %arg7[%swap3A_894], %gather3A_893 {strides = array<i32>} : memref<512xf32, #tpu.memory_space<vmem>>, vector<16xf32>,
    %broadcast_in_dim3A = arith.constant 0.000000e+00 : f32
    %broadcast_in_dim3A_896 = vector.broadcast %broadcast_in_dim3A : f32 to vector<16xf32>
    %broadcast_in_dim3A_897 = arith.constant 1.000000e+00 : f32
    %broadcast_in_dim3A_898 = vector.broadcast %broadcast_in_dim3A_897 : f32 to vector<16xf32>
    %mul3A_899 = arith.constant 32 : i32
    %mul3A_900 = vector.broadcast %mul3A_899 : i32 to vector<16xi32>
    %mul3A_901 = arith.muli %iota3A, %mul3A_900 : vector<16xi32>
    %add3A_902 = arith.constant 0 : i32
    %add3A_903 = vector.broadcast %add3A_902 : i32 to vector<16xi32>
    %add3A_904 = arith.addi %mul3A_901, %add3A_903 : vector<16xi32>
    %gather3A_905 = tpu.vector_load_idx %arg7[%add3A_904] : memref<512xf32, #tpu.memory_space<vmem>>[vector<16xi32>], vector<16xf32>,
    %sub3A = arith.subf %broadcast_in_dim3A_898, %gather3A_905 : vector<16xf32>
    %max3A = arith.maximumf %broadcast_in_dim3A_896, %sub3A : vector<16xf32>
    %add3A_906 = arith.addf %broadcast_in_dim3A_896, %max3A : vector<16xf32>
    %mul3A_907 = arith.constant 32 : i32
    %mul3A_908 = vector.broadcast %mul3A_907 : i32 to vector<16xi32>
    %mul3A_909 = arith.muli %iota3A, %mul3A_908 : vector<16xi32>
    %add3A_910 = arith.constant 1 : i32
    %add3A_911 = vector.broadcast %add3A_910 : i32 to vector<16xi32>
    %add3A_912 = arith.addi %mul3A_909, %add3A_911 : vector<16xi32>
    %gather3A_913 = tpu.vector_load_idx %arg7[%add3A_912] : memref<512xf32, #tpu.memory_space<vmem>>[vector<16xi32>], vector<16xf32>,
    %sub3A_914 = arith.subf %broadcast_in_dim3A_898, %gather3A_913 : vector<16xf32>
    %max3A_915 = arith.maximumf %broadcast_in_dim3A_896, %sub3A_914 : vector<16xf32>
    %add3A_916 = arith.addf %add3A_906, %max3A_915 : vector<16xf32>
    %mul3A_917 = arith.constant 32 : i32
    %mul3A_918 = vector.broadcast %mul3A_917 : i32 to vector<16xi32>
    %mul3A_919 = arith.muli %iota3A, %mul3A_918 : vector<16xi32>
    %add3A_920 = arith.constant 2 : i32
    %add3A_921 = vector.broadcast %add3A_920 : i32 to vector<16xi32>
    %add3A_922 = arith.addi %mul3A_919, %add3A_921 : vector<16xi32>
    %gather3A_923 = tpu.vector_load_idx %arg7[%add3A_922] : memref<512xf32, #tpu.memory_space<vmem>>[vector<16xi32>], vector<16xf32>,
    %sub3A_924 = arith.subf %broadcast_in_dim3A_898, %gather3A_923 : vector<16xf32>
    %max3A_925 = arith.maximumf %broadcast_in_dim3A_896, %sub3A_924 : vector<16xf32>
    %add3A_926 = arith.addf %add3A_916, %max3A_925 : vector<16xf32>
    %mul3A_927 = arith.constant 32 : i32
    %mul3A_928 = vector.broadcast %mul3A_927 : i32 to vector<16xi32>
    %mul3A_929 = arith.muli %iota3A, %mul3A_928 : vector<16xi32>
    %add3A_930 = arith.constant 3 : i32
    %add3A_931 = vector.broadcast %add3A_930 : i32 to vector<16xi32>
    %add3A_932 = arith.addi %mul3A_929, %add3A_931 : vector<16xi32>
    %gather3A_933 = tpu.vector_load_idx %arg7[%add3A_932] : memref<512xf32, #tpu.memory_space<vmem>>[vector<16xi32>], vector<16xf32>,
    %sub3A_934 = arith.subf %broadcast_in_dim3A_898, %gather3A_933 : vector<16xf32>
    %max3A_935 = arith.maximumf %broadcast_in_dim3A_896, %sub3A_934 : vector<16xf32>
    %add3A_936 = arith.addf %add3A_926, %max3A_935 : vector<16xf32>
    %mul3A_937 = arith.constant 32 : i32
    %mul3A_938 = vector.broadcast %mul3A_937 : i32 to vector<16xi32>
    %mul3A_939 = arith.muli %iota3A, %mul3A_938 : vector<16xi32>
    %add3A_940 = arith.constant 4 : i32
    %add3A_941 = vector.broadcast %add3A_940 : i32 to vector<16xi32>
    %add3A_942 = arith.addi %mul3A_939, %add3A_941 : vector<16xi32>
    %gather3A_943 = tpu.vector_load_idx %arg7[%add3A_942] : memref<512xf32, #tpu.memory_space<vmem>>[vector<16xi32>], vector<16xf32>,
    %sub3A_944 = arith.subf %broadcast_in_dim3A_898, %gather3A_943 : vector<16xf32>
    %max3A_945 = arith.maximumf %broadcast_in_dim3A_896, %sub3A_944 : vector<16xf32>
    %add3A_946 = arith.addf %add3A_936, %max3A_945 : vector<16xf32>
    %mul3A_947 = arith.constant 32 : i32
    %mul3A_948 = vector.broadcast %mul3A_947 : i32 to vector<16xi32>
    %mul3A_949 = arith.muli %iota3A, %mul3A_948 : vector<16xi32>
    %add3A_950 = arith.constant 5 : i32
    %add3A_951 = vector.broadcast %add3A_950 : i32 to vector<16xi32>
    %add3A_952 = arith.addi %mul3A_949, %add3A_951 : vector<16xi32>
    %gather3A_953 = tpu.vector_load_idx %arg7[%add3A_952] : memref<512xf32, #tpu.memory_space<vmem>>[vector<16xi32>], vector<16xf32>,
    %sub3A_954 = arith.subf %broadcast_in_dim3A_898, %gather3A_953 : vector<16xf32>
    %max3A_955 = arith.maximumf %broadcast_in_dim3A_896, %sub3A_954 : vector<16xf32>
    %add3A_956 = arith.addf %add3A_946, %max3A_955 : vector<16xf32>
    %mul3A_957 = arith.constant 32 : i32
    %mul3A_958 = vector.broadcast %mul3A_957 : i32 to vector<16xi32>
    %mul3A_959 = arith.muli %iota3A, %mul3A_958 : vector<16xi32>
    %add3A_960 = arith.constant 6 : i32
    %add3A_961 = vector.broadcast %add3A_960 : i32 to vector<16xi32>
    %add3A_962 = arith.addi %mul3A_959, %add3A_961 : vector<16xi32>
    %gather3A_963 = tpu.vector_load_idx %arg7[%add3A_962] : memref<512xf32, #tpu.memory_space<vmem>>[vector<16xi32>], vector<16xf32>,
    %sub3A_964 = arith.subf %broadcast_in_dim3A_898, %gather3A_963 : vector<16xf32>
    %max3A_965 = arith.maximumf %broadcast_in_dim3A_896, %sub3A_964 : vector<16xf32>
    %add3A_966 = arith.addf %add3A_956, %max3A_965 : vector<16xf32>
    %mul3A_967 = arith.constant 32 : i32
    %mul3A_968 = vector.broadcast %mul3A_967 : i32 to vector<16xi32>
    %mul3A_969 = arith.muli %iota3A, %mul3A_968 : vector<16xi32>
    %add3A_970 = arith.constant 7 : i32
    %add3A_971 = vector.broadcast %add3A_970 : i32 to vector<16xi32>
    %add3A_972 = arith.addi %mul3A_969, %add3A_971 : vector<16xi32>
    %gather3A_973 = tpu.vector_load_idx %arg7[%add3A_972] : memref<512xf32, #tpu.memory_space<vmem>>[vector<16xi32>], vector<16xf32>,
    %sub3A_974 = arith.subf %broadcast_in_dim3A_898, %gather3A_973 : vector<16xf32>
    %max3A_975 = arith.maximumf %broadcast_in_dim3A_896, %sub3A_974 : vector<16xf32>
    %add3A_976 = arith.addf %add3A_966, %max3A_975 : vector<16xf32>
    %mul3A_977 = arith.constant 32 : i32
    %mul3A_978 = vector.broadcast %mul3A_977 : i32 to vector<16xi32>
    %mul3A_979 = arith.muli %iota3A, %mul3A_978 : vector<16xi32>
    %add3A_980 = arith.constant 8 : i32
    %add3A_981 = vector.broadcast %add3A_980 : i32 to vector<16xi32>
    %add3A_982 = arith.addi %mul3A_979, %add3A_981 : vector<16xi32>
    %gather3A_983 = tpu.vector_load_idx %arg7[%add3A_982] : memref<512xf32, #tpu.memory_space<vmem>>[vector<16xi32>], vector<16xf32>,
    %add3A_984 = arith.addf %broadcast_in_dim3A_898, %gather3A_983 : vector<16xf32>
    %max3A_985 = arith.maximumf %broadcast_in_dim3A_896, %add3A_984 : vector<16xf32>
    %max3A_986 = arith.maximumf %broadcast_in_dim3A_896, %max3A_985 : vector<16xf32>
    %min3A = arith.minimumf %broadcast_in_dim3A_896, %max3A_985 : vector<16xf32>
    %max3A_987 = arith.maximumf %broadcast_in_dim3A_896, %min3A : vector<16xf32>
    %min3A_988 = arith.minimumf %broadcast_in_dim3A_896, %min3A : vector<16xf32>
    %max3A_989 = arith.maximumf %broadcast_in_dim3A_896, %min3A_988 : vector<16xf32>
    %min3A_990 = arith.minimumf %broadcast_in_dim3A_896, %min3A_988 : vector<16xf32>
    %max3A_991 = arith.maximumf %broadcast_in_dim3A_896, %min3A_990 : vector<16xf32>
    %mul3A_992 = arith.constant 32 : i32
    %mul3A_993 = vector.broadcast %mul3A_992 : i32 to vector<16xi32>
    %mul3A_994 = arith.muli %iota3A, %mul3A_993 : vector<16xi32>
    %add3A_995 = arith.constant 9 : i32
    %add3A_996 = vector.broadcast %add3A_995 : i32 to vector<16xi32>
    %add3A_997 = arith.addi %mul3A_994, %add3A_996 : vector<16xi32>
    %gather3A_998 = tpu.vector_load_idx %arg7[%add3A_997] : memref<512xf32, #tpu.memory_space<vmem>>[vector<16xi32>], vector<16xf32>,
    %add3A_999 = arith.addf %broadcast_in_dim3A_898, %gather3A_998 : vector<16xf32>
    %max3A_1000 = arith.maximumf %broadcast_in_dim3A_896, %add3A_999 : vector<16xf32>
    %max3A_1001 = arith.maximumf %max3A_986, %max3A_1000 : vector<16xf32>
    %min3A_1002 = arith.minimumf %max3A_986, %max3A_1000 : vector<16xf32>
    %max3A_1003 = arith.maximumf %max3A_987, %min3A_1002 : vector<16xf32>
    %min3A_1004 = arith.minimumf %max3A_987, %min3A_1002 : vector<16xf32>
    %max3A_1005 = arith.maximumf %max3A_989, %min3A_1004 : vector<16xf32>
    %min3A_1006 = arith.minimumf %max3A_989, %min3A_1004 : vector<16xf32>
    %max3A_1007 = arith.maximumf %max3A_991, %min3A_1006 : vector<16xf32>
    %mul3A_1008 = arith.constant 32 : i32
    %mul3A_1009 = vector.broadcast %mul3A_1008 : i32 to vector<16xi32>
    %mul3A_1010 = arith.muli %iota3A, %mul3A_1009 : vector<16xi32>
    %add3A_1011 = arith.constant 10 : i32
    %add3A_1012 = vector.broadcast %add3A_1011 : i32 to vector<16xi32>
    %add3A_1013 = arith.addi %mul3A_1010, %add3A_1012 : vector<16xi32>
    %gather3A_1014 = tpu.vector_load_idx %arg7[%add3A_1013] : memref<512xf32, #tpu.memory_space<vmem>>[vector<16xi32>], vector<16xf32>,
    %add3A_1015 = arith.addf %broadcast_in_dim3A_898, %gather3A_1014 : vector<16xf32>
    %max3A_1016 = arith.maximumf %broadcast_in_dim3A_896, %add3A_1015 : vector<16xf32>
    %max3A_1017 = arith.maximumf %max3A_1001, %max3A_1016 : vector<16xf32>
    %min3A_1018 = arith.minimumf %max3A_1001, %max3A_1016 : vector<16xf32>
    %max3A_1019 = arith.maximumf %max3A_1003, %min3A_1018 : vector<16xf32>
    %min3A_1020 = arith.minimumf %max3A_1003, %min3A_1018 : vector<16xf32>
    %max3A_1021 = arith.maximumf %max3A_1005, %min3A_1020 : vector<16xf32>
    %min3A_1022 = arith.minimumf %max3A_1005, %min3A_1020 : vector<16xf32>
    %max3A_1023 = arith.maximumf %max3A_1007, %min3A_1022 : vector<16xf32>
    %mul3A_1024 = arith.constant 32 : i32
    %mul3A_1025 = vector.broadcast %mul3A_1024 : i32 to vector<16xi32>
    %mul3A_1026 = arith.muli %iota3A, %mul3A_1025 : vector<16xi32>
    %add3A_1027 = arith.constant 11 : i32
    %add3A_1028 = vector.broadcast %add3A_1027 : i32 to vector<16xi32>
    %add3A_1029 = arith.addi %mul3A_1026, %add3A_1028 : vector<16xi32>
    %gather3A_1030 = tpu.vector_load_idx %arg7[%add3A_1029] : memref<512xf32, #tpu.memory_space<vmem>>[vector<16xi32>], vector<16xf32>,
    %add3A_1031 = arith.addf %broadcast_in_dim3A_898, %gather3A_1030 : vector<16xf32>
    %max3A_1032 = arith.maximumf %broadcast_in_dim3A_896, %add3A_1031 : vector<16xf32>
    %max3A_1033 = arith.maximumf %max3A_1017, %max3A_1032 : vector<16xf32>
    %min3A_1034 = arith.minimumf %max3A_1017, %max3A_1032 : vector<16xf32>
    %max3A_1035 = arith.maximumf %max3A_1019, %min3A_1034 : vector<16xf32>
    %min3A_1036 = arith.minimumf %max3A_1019, %min3A_1034 : vector<16xf32>
    %max3A_1037 = arith.maximumf %max3A_1021, %min3A_1036 : vector<16xf32>
    %min3A_1038 = arith.minimumf %max3A_1021, %min3A_1036 : vector<16xf32>
    %max3A_1039 = arith.maximumf %max3A_1023, %min3A_1038 : vector<16xf32>
    %mul3A_1040 = arith.constant 32 : i32
    %mul3A_1041 = vector.broadcast %mul3A_1040 : i32 to vector<16xi32>
    %mul3A_1042 = arith.muli %iota3A, %mul3A_1041 : vector<16xi32>
    %add3A_1043 = arith.constant 12 : i32
    %add3A_1044 = vector.broadcast %add3A_1043 : i32 to vector<16xi32>
    %add3A_1045 = arith.addi %mul3A_1042, %add3A_1044 : vector<16xi32>
    %gather3A_1046 = tpu.vector_load_idx %arg7[%add3A_1045] : memref<512xf32, #tpu.memory_space<vmem>>[vector<16xi32>], vector<16xf32>,
    %add3A_1047 = arith.addf %broadcast_in_dim3A_898, %gather3A_1046 : vector<16xf32>
    %max3A_1048 = arith.maximumf %broadcast_in_dim3A_896, %add3A_1047 : vector<16xf32>
    %max3A_1049 = arith.maximumf %max3A_1033, %max3A_1048 : vector<16xf32>
    %min3A_1050 = arith.minimumf %max3A_1033, %max3A_1048 : vector<16xf32>
    %max3A_1051 = arith.maximumf %max3A_1035, %min3A_1050 : vector<16xf32>
    %min3A_1052 = arith.minimumf %max3A_1035, %min3A_1050 : vector<16xf32>
    %max3A_1053 = arith.maximumf %max3A_1037, %min3A_1052 : vector<16xf32>
    %min3A_1054 = arith.minimumf %max3A_1037, %min3A_1052 : vector<16xf32>
    %max3A_1055 = arith.maximumf %max3A_1039, %min3A_1054 : vector<16xf32>
    %mul3A_1056 = arith.constant 32 : i32
    %mul3A_1057 = vector.broadcast %mul3A_1056 : i32 to vector<16xi32>
    %mul3A_1058 = arith.muli %iota3A, %mul3A_1057 : vector<16xi32>
    %add3A_1059 = arith.constant 13 : i32
    %add3A_1060 = vector.broadcast %add3A_1059 : i32 to vector<16xi32>
    %add3A_1061 = arith.addi %mul3A_1058, %add3A_1060 : vector<16xi32>
    %gather3A_1062 = tpu.vector_load_idx %arg7[%add3A_1061] : memref<512xf32, #tpu.memory_space<vmem>>[vector<16xi32>], vector<16xf32>,
    %add3A_1063 = arith.addf %broadcast_in_dim3A_898, %gather3A_1062 : vector<16xf32>
    %max3A_1064 = arith.maximumf %broadcast_in_dim3A_896, %add3A_1063 : vector<16xf32>
    %max3A_1065 = arith.maximumf %max3A_1049, %max3A_1064 : vector<16xf32>
    %min3A_1066 = arith.minimumf %max3A_1049, %max3A_1064 : vector<16xf32>
    %max3A_1067 = arith.maximumf %max3A_1051, %min3A_1066 : vector<16xf32>
    %min3A_1068 = arith.minimumf %max3A_1051, %min3A_1066 : vector<16xf32>
    %max3A_1069 = arith.maximumf %max3A_1053, %min3A_1068 : vector<16xf32>
    %min3A_1070 = arith.minimumf %max3A_1053, %min3A_1068 : vector<16xf32>
    %max3A_1071 = arith.maximumf %max3A_1055, %min3A_1070 : vector<16xf32>
    %mul3A_1072 = arith.constant 32 : i32
    %mul3A_1073 = vector.broadcast %mul3A_1072 : i32 to vector<16xi32>
    %mul3A_1074 = arith.muli %iota3A, %mul3A_1073 : vector<16xi32>
    %add3A_1075 = arith.constant 14 : i32
    %add3A_1076 = vector.broadcast %add3A_1075 : i32 to vector<16xi32>
    %add3A_1077 = arith.addi %mul3A_1074, %add3A_1076 : vector<16xi32>
    %gather3A_1078 = tpu.vector_load_idx %arg7[%add3A_1077] : memref<512xf32, #tpu.memory_space<vmem>>[vector<16xi32>], vector<16xf32>,
    %add3A_1079 = arith.addf %broadcast_in_dim3A_898, %gather3A_1078 : vector<16xf32>
    %max3A_1080 = arith.maximumf %broadcast_in_dim3A_896, %add3A_1079 : vector<16xf32>
    %max3A_1081 = arith.maximumf %max3A_1065, %max3A_1080 : vector<16xf32>
    %min3A_1082 = arith.minimumf %max3A_1065, %max3A_1080 : vector<16xf32>
    %max3A_1083 = arith.maximumf %max3A_1067, %min3A_1082 : vector<16xf32>
    %min3A_1084 = arith.minimumf %max3A_1067, %min3A_1082 : vector<16xf32>
    %max3A_1085 = arith.maximumf %max3A_1069, %min3A_1084 : vector<16xf32>
    %min3A_1086 = arith.minimumf %max3A_1069, %min3A_1084 : vector<16xf32>
    %max3A_1087 = arith.maximumf %max3A_1071, %min3A_1086 : vector<16xf32>
    %mul3A_1088 = arith.constant 32 : i32
    %mul3A_1089 = vector.broadcast %mul3A_1088 : i32 to vector<16xi32>
    %mul3A_1090 = arith.muli %iota3A, %mul3A_1089 : vector<16xi32>
    %add3A_1091 = arith.constant 15 : i32
    %add3A_1092 = vector.broadcast %add3A_1091 : i32 to vector<16xi32>
    %add3A_1093 = arith.addi %mul3A_1090, %add3A_1092 : vector<16xi32>
    %gather3A_1094 = tpu.vector_load_idx %arg7[%add3A_1093] : memref<512xf32, #tpu.memory_space<vmem>>[vector<16xi32>], vector<16xf32>,
    %add3A_1095 = arith.addf %broadcast_in_dim3A_898, %gather3A_1094 : vector<16xf32>
    %max3A_1096 = arith.maximumf %broadcast_in_dim3A_896, %add3A_1095 : vector<16xf32>
    %max3A_1097 = arith.maximumf %max3A_1081, %max3A_1096 : vector<16xf32>
    %min3A_1098 = arith.minimumf %max3A_1081, %max3A_1096 : vector<16xf32>
    %max3A_1099 = arith.maximumf %max3A_1083, %min3A_1098 : vector<16xf32>
    %min3A_1100 = arith.minimumf %max3A_1083, %min3A_1098 : vector<16xf32>
    %max3A_1101 = arith.maximumf %max3A_1085, %min3A_1100 : vector<16xf32>
    %min3A_1102 = arith.minimumf %max3A_1085, %min3A_1100 : vector<16xf32>
    %max3A_1103 = arith.maximumf %max3A_1087, %min3A_1102 : vector<16xf32>
    %mul3A_1104 = arith.constant 32 : i32
    %mul3A_1105 = vector.broadcast %mul3A_1104 : i32 to vector<16xi32>
    %mul3A_1106 = arith.muli %iota3A, %mul3A_1105 : vector<16xi32>
    %add3A_1107 = arith.constant 16 : i32
    %add3A_1108 = vector.broadcast %add3A_1107 : i32 to vector<16xi32>
    %add3A_1109 = arith.addi %mul3A_1106, %add3A_1108 : vector<16xi32>
    %gather3A_1110 = tpu.vector_load_idx %arg7[%add3A_1109] : memref<512xf32, #tpu.memory_space<vmem>>[vector<16xi32>], vector<16xf32>,
    %add3A_1111 = arith.addf %broadcast_in_dim3A_898, %gather3A_1110 : vector<16xf32>
    %max3A_1112 = arith.maximumf %broadcast_in_dim3A_896, %add3A_1111 : vector<16xf32>
    %max3A_1113 = arith.maximumf %max3A_1097, %max3A_1112 : vector<16xf32>
    %min3A_1114 = arith.minimumf %max3A_1097, %max3A_1112 : vector<16xf32>
    %max3A_1115 = arith.maximumf %max3A_1099, %min3A_1114 : vector<16xf32>
    %min3A_1116 = arith.minimumf %max3A_1099, %min3A_1114 : vector<16xf32>
    %max3A_1117 = arith.maximumf %max3A_1101, %min3A_1116 : vector<16xf32>
    %min3A_1118 = arith.minimumf %max3A_1101, %min3A_1116 : vector<16xf32>
    %max3A_1119 = arith.maximumf %max3A_1103, %min3A_1118 : vector<16xf32>
    %mul3A_1120 = arith.constant 32 : i32
    %mul3A_1121 = vector.broadcast %mul3A_1120 : i32 to vector<16xi32>
    %mul3A_1122 = arith.muli %iota3A, %mul3A_1121 : vector<16xi32>
    %add3A_1123 = arith.constant 17 : i32
    %add3A_1124 = vector.broadcast %add3A_1123 : i32 to vector<16xi32>
    %add3A_1125 = arith.addi %mul3A_1122, %add3A_1124 : vector<16xi32>
    %gather3A_1126 = tpu.vector_load_idx %arg7[%add3A_1125] : memref<512xf32, #tpu.memory_space<vmem>>[vector<16xi32>], vector<16xf32>,
    %add3A_1127 = arith.addf %broadcast_in_dim3A_898, %gather3A_1126 : vector<16xf32>
    %max3A_1128 = arith.maximumf %broadcast_in_dim3A_896, %add3A_1127 : vector<16xf32>
    %max3A_1129 = arith.maximumf %max3A_1113, %max3A_1128 : vector<16xf32>
    %min3A_1130 = arith.minimumf %max3A_1113, %max3A_1128 : vector<16xf32>
    %max3A_1131 = arith.maximumf %max3A_1115, %min3A_1130 : vector<16xf32>
    %min3A_1132 = arith.minimumf %max3A_1115, %min3A_1130 : vector<16xf32>
    %max3A_1133 = arith.maximumf %max3A_1117, %min3A_1132 : vector<16xf32>
    %min3A_1134 = arith.minimumf %max3A_1117, %min3A_1132 : vector<16xf32>
    %max3A_1135 = arith.maximumf %max3A_1119, %min3A_1134 : vector<16xf32>
    %mul3A_1136 = arith.constant 32 : i32
    %mul3A_1137 = vector.broadcast %mul3A_1136 : i32 to vector<16xi32>
    %mul3A_1138 = arith.muli %iota3A, %mul3A_1137 : vector<16xi32>
    %add3A_1139 = arith.constant 18 : i32
    %add3A_1140 = vector.broadcast %add3A_1139 : i32 to vector<16xi32>
    %add3A_1141 = arith.addi %mul3A_1138, %add3A_1140 : vector<16xi32>
    %gather3A_1142 = tpu.vector_load_idx %arg7[%add3A_1141] : memref<512xf32, #tpu.memory_space<vmem>>[vector<16xi32>], vector<16xf32>,
    %add3A_1143 = arith.addf %broadcast_in_dim3A_898, %gather3A_1142 : vector<16xf32>
    %max3A_1144 = arith.maximumf %broadcast_in_dim3A_896, %add3A_1143 : vector<16xf32>
    %max3A_1145 = arith.maximumf %max3A_1129, %max3A_1144 : vector<16xf32>
    %min3A_1146 = arith.minimumf %max3A_1129, %max3A_1144 : vector<16xf32>
    %max3A_1147 = arith.maximumf %max3A_1131, %min3A_1146 : vector<16xf32>
    %min3A_1148 = arith.minimumf %max3A_1131, %min3A_1146 : vector<16xf32>
    %max3A_1149 = arith.maximumf %max3A_1133, %min3A_1148 : vector<16xf32>
    %min3A_1150 = arith.minimumf %max3A_1133, %min3A_1148 : vector<16xf32>
    %max3A_1151 = arith.maximumf %max3A_1135, %min3A_1150 : vector<16xf32>
    %mul3A_1152 = arith.constant 32 : i32
    %mul3A_1153 = vector.broadcast %mul3A_1152 : i32 to vector<16xi32>
    %mul3A_1154 = arith.muli %iota3A, %mul3A_1153 : vector<16xi32>
    %add3A_1155 = arith.constant 19 : i32
    %add3A_1156 = vector.broadcast %add3A_1155 : i32 to vector<16xi32>
    %add3A_1157 = arith.addi %mul3A_1154, %add3A_1156 : vector<16xi32>
    %gather3A_1158 = tpu.vector_load_idx %arg7[%add3A_1157] : memref<512xf32, #tpu.memory_space<vmem>>[vector<16xi32>], vector<16xf32>,
    %add3A_1159 = arith.addf %broadcast_in_dim3A_898, %gather3A_1158 : vector<16xf32>
    %max3A_1160 = arith.maximumf %broadcast_in_dim3A_896, %add3A_1159 : vector<16xf32>
    %max3A_1161 = arith.maximumf %max3A_1145, %max3A_1160 : vector<16xf32>
    %min3A_1162 = arith.minimumf %max3A_1145, %max3A_1160 : vector<16xf32>
    %max3A_1163 = arith.maximumf %max3A_1147, %min3A_1162 : vector<16xf32>
    %min3A_1164 = arith.minimumf %max3A_1147, %min3A_1162 : vector<16xf32>
    %max3A_1165 = arith.maximumf %max3A_1149, %min3A_1164 : vector<16xf32>
    %min3A_1166 = arith.minimumf %max3A_1149, %min3A_1164 : vector<16xf32>
    %max3A_1167 = arith.maximumf %max3A_1151, %min3A_1166 : vector<16xf32>
    %mul3A_1168 = arith.constant 32 : i32
    %mul3A_1169 = vector.broadcast %mul3A_1168 : i32 to vector<16xi32>
    %mul3A_1170 = arith.muli %iota3A, %mul3A_1169 : vector<16xi32>
    %add3A_1171 = arith.constant 20 : i32
    %add3A_1172 = vector.broadcast %add3A_1171 : i32 to vector<16xi32>
    %add3A_1173 = arith.addi %mul3A_1170, %add3A_1172 : vector<16xi32>
    %gather3A_1174 = tpu.vector_load_idx %arg7[%add3A_1173] : memref<512xf32, #tpu.memory_space<vmem>>[vector<16xi32>], vector<16xf32>,
    %add3A_1175 = arith.addf %broadcast_in_dim3A_898, %gather3A_1174 : vector<16xf32>
    %max3A_1176 = arith.maximumf %broadcast_in_dim3A_896, %add3A_1175 : vector<16xf32>
    %max3A_1177 = arith.maximumf %max3A_1161, %max3A_1176 : vector<16xf32>
    %min3A_1178 = arith.minimumf %max3A_1161, %max3A_1176 : vector<16xf32>
    %max3A_1179 = arith.maximumf %max3A_1163, %min3A_1178 : vector<16xf32>
    %min3A_1180 = arith.minimumf %max3A_1163, %min3A_1178 : vector<16xf32>
    %max3A_1181 = arith.maximumf %max3A_1165, %min3A_1180 : vector<16xf32>
    %min3A_1182 = arith.minimumf %max3A_1165, %min3A_1180 : vector<16xf32>
    %max3A_1183 = arith.maximumf %max3A_1167, %min3A_1182 : vector<16xf32>
    %mul3A_1184 = arith.constant 32 : i32
    %mul3A_1185 = vector.broadcast %mul3A_1184 : i32 to vector<16xi32>
    %mul3A_1186 = arith.muli %iota3A, %mul3A_1185 : vector<16xi32>
    %add3A_1187 = arith.constant 21 : i32
    %add3A_1188 = vector.broadcast %add3A_1187 : i32 to vector<16xi32>
    %add3A_1189 = arith.addi %mul3A_1186, %add3A_1188 : vector<16xi32>
    %gather3A_1190 = tpu.vector_load_idx %arg7[%add3A_1189] : memref<512xf32, #tpu.memory_space<vmem>>[vector<16xi32>], vector<16xf32>,
    %add3A_1191 = arith.addf %broadcast_in_dim3A_898, %gather3A_1190 : vector<16xf32>
    %max3A_1192 = arith.maximumf %broadcast_in_dim3A_896, %add3A_1191 : vector<16xf32>
    %max3A_1193 = arith.maximumf %max3A_1177, %max3A_1192 : vector<16xf32>
    %min3A_1194 = arith.minimumf %max3A_1177, %max3A_1192 : vector<16xf32>
    %max3A_1195 = arith.maximumf %max3A_1179, %min3A_1194 : vector<16xf32>
    %min3A_1196 = arith.minimumf %max3A_1179, %min3A_1194 : vector<16xf32>
    %max3A_1197 = arith.maximumf %max3A_1181, %min3A_1196 : vector<16xf32>
    %min3A_1198 = arith.minimumf %max3A_1181, %min3A_1196 : vector<16xf32>
    %max3A_1199 = arith.maximumf %max3A_1183, %min3A_1198 : vector<16xf32>
    %mul3A_1200 = arith.constant 32 : i32
    %mul3A_1201 = vector.broadcast %mul3A_1200 : i32 to vector<16xi32>
    %mul3A_1202 = arith.muli %iota3A, %mul3A_1201 : vector<16xi32>
    %add3A_1203 = arith.constant 22 : i32
    %add3A_1204 = vector.broadcast %add3A_1203 : i32 to vector<16xi32>
    %add3A_1205 = arith.addi %mul3A_1202, %add3A_1204 : vector<16xi32>
    %gather3A_1206 = tpu.vector_load_idx %arg7[%add3A_1205] : memref<512xf32, #tpu.memory_space<vmem>>[vector<16xi32>], vector<16xf32>,
    %add3A_1207 = arith.addf %broadcast_in_dim3A_898, %gather3A_1206 : vector<16xf32>
    %max3A_1208 = arith.maximumf %broadcast_in_dim3A_896, %add3A_1207 : vector<16xf32>
    %max3A_1209 = arith.maximumf %max3A_1193, %max3A_1208 : vector<16xf32>
    %min3A_1210 = arith.minimumf %max3A_1193, %max3A_1208 : vector<16xf32>
    %max3A_1211 = arith.maximumf %max3A_1195, %min3A_1210 : vector<16xf32>
    %min3A_1212 = arith.minimumf %max3A_1195, %min3A_1210 : vector<16xf32>
    %max3A_1213 = arith.maximumf %max3A_1197, %min3A_1212 : vector<16xf32>
    %min3A_1214 = arith.minimumf %max3A_1197, %min3A_1212 : vector<16xf32>
    %max3A_1215 = arith.maximumf %max3A_1199, %min3A_1214 : vector<16xf32>
    %mul3A_1216 = arith.constant 32 : i32
    %mul3A_1217 = vector.broadcast %mul3A_1216 : i32 to vector<16xi32>
    %mul3A_1218 = arith.muli %iota3A, %mul3A_1217 : vector<16xi32>
    %add3A_1219 = arith.constant 23 : i32
    %add3A_1220 = vector.broadcast %add3A_1219 : i32 to vector<16xi32>
    %add3A_1221 = arith.addi %mul3A_1218, %add3A_1220 : vector<16xi32>
    %gather3A_1222 = tpu.vector_load_idx %arg7[%add3A_1221] : memref<512xf32, #tpu.memory_space<vmem>>[vector<16xi32>], vector<16xf32>,
    %add3A_1223 = arith.addf %broadcast_in_dim3A_898, %gather3A_1222 : vector<16xf32>
    %max3A_1224 = arith.maximumf %broadcast_in_dim3A_896, %add3A_1223 : vector<16xf32>
    %max3A_1225 = arith.maximumf %max3A_1209, %max3A_1224 : vector<16xf32>
    %min3A_1226 = arith.minimumf %max3A_1209, %max3A_1224 : vector<16xf32>
    %max3A_1227 = arith.maximumf %max3A_1211, %min3A_1226 : vector<16xf32>
    %min3A_1228 = arith.minimumf %max3A_1211, %min3A_1226 : vector<16xf32>
    %max3A_1229 = arith.maximumf %max3A_1213, %min3A_1228 : vector<16xf32>
    %min3A_1230 = arith.minimumf %max3A_1213, %min3A_1228 : vector<16xf32>
    %max3A_1231 = arith.maximumf %max3A_1215, %min3A_1230 : vector<16xf32>
    %mul3A_1232 = arith.constant 32 : i32
    %mul3A_1233 = vector.broadcast %mul3A_1232 : i32 to vector<16xi32>
    %mul3A_1234 = arith.muli %iota3A, %mul3A_1233 : vector<16xi32>
    %add3A_1235 = arith.constant 24 : i32
    %add3A_1236 = vector.broadcast %add3A_1235 : i32 to vector<16xi32>
    %add3A_1237 = arith.addi %mul3A_1234, %add3A_1236 : vector<16xi32>
    %gather3A_1238 = tpu.vector_load_idx %arg7[%add3A_1237] : memref<512xf32, #tpu.memory_space<vmem>>[vector<16xi32>], vector<16xf32>,
    %add3A_1239 = arith.addf %broadcast_in_dim3A_898, %gather3A_1238 : vector<16xf32>
    %max3A_1240 = arith.maximumf %broadcast_in_dim3A_896, %add3A_1239 : vector<16xf32>
    %max3A_1241 = arith.maximumf %max3A_1225, %max3A_1240 : vector<16xf32>
    %min3A_1242 = arith.minimumf %max3A_1225, %max3A_1240 : vector<16xf32>
    %max3A_1243 = arith.maximumf %max3A_1227, %min3A_1242 : vector<16xf32>
    %min3A_1244 = arith.minimumf %max3A_1227, %min3A_1242 : vector<16xf32>
    %max3A_1245 = arith.maximumf %max3A_1229, %min3A_1244 : vector<16xf32>
    %min3A_1246 = arith.minimumf %max3A_1229, %min3A_1244 : vector<16xf32>
    %max3A_1247 = arith.maximumf %max3A_1231, %min3A_1246 : vector<16xf32>
    %mul3A_1248 = arith.constant 32 : i32
    %mul3A_1249 = vector.broadcast %mul3A_1248 : i32 to vector<16xi32>
    %mul3A_1250 = arith.muli %iota3A, %mul3A_1249 : vector<16xi32>
    %add3A_1251 = arith.constant 25 : i32
    %add3A_1252 = vector.broadcast %add3A_1251 : i32 to vector<16xi32>
    %add3A_1253 = arith.addi %mul3A_1250, %add3A_1252 : vector<16xi32>
    %gather3A_1254 = tpu.vector_load_idx %arg7[%add3A_1253] : memref<512xf32, #tpu.memory_space<vmem>>[vector<16xi32>], vector<16xf32>,
    %add3A_1255 = arith.addf %broadcast_in_dim3A_898, %gather3A_1254 : vector<16xf32>
    %max3A_1256 = arith.maximumf %broadcast_in_dim3A_896, %add3A_1255 : vector<16xf32>
    %max3A_1257 = arith.maximumf %max3A_1241, %max3A_1256 : vector<16xf32>
    %min3A_1258 = arith.minimumf %max3A_1241, %max3A_1256 : vector<16xf32>
    %max3A_1259 = arith.maximumf %max3A_1243, %min3A_1258 : vector<16xf32>
    %min3A_1260 = arith.minimumf %max3A_1243, %min3A_1258 : vector<16xf32>
    %max3A_1261 = arith.maximumf %max3A_1245, %min3A_1260 : vector<16xf32>
    %min3A_1262 = arith.minimumf %max3A_1245, %min3A_1260 : vector<16xf32>
    %max3A_1263 = arith.maximumf %max3A_1247, %min3A_1262 : vector<16xf32>
    %mul3A_1264 = arith.constant 32 : i32
    %mul3A_1265 = vector.broadcast %mul3A_1264 : i32 to vector<16xi32>
    %mul3A_1266 = arith.muli %iota3A, %mul3A_1265 : vector<16xi32>
    %add3A_1267 = arith.constant 26 : i32
    %add3A_1268 = vector.broadcast %add3A_1267 : i32 to vector<16xi32>
    %add3A_1269 = arith.addi %mul3A_1266, %add3A_1268 : vector<16xi32>
    %gather3A_1270 = tpu.vector_load_idx %arg7[%add3A_1269] : memref<512xf32, #tpu.memory_space<vmem>>[vector<16xi32>], vector<16xf32>,
    %add3A_1271 = arith.addf %broadcast_in_dim3A_898, %gather3A_1270 : vector<16xf32>
    %max3A_1272 = arith.maximumf %broadcast_in_dim3A_896, %add3A_1271 : vector<16xf32>
    %max3A_1273 = arith.maximumf %max3A_1257, %max3A_1272 : vector<16xf32>
    %min3A_1274 = arith.minimumf %max3A_1257, %max3A_1272 : vector<16xf32>
    %max3A_1275 = arith.maximumf %max3A_1259, %min3A_1274 : vector<16xf32>
    %min3A_1276 = arith.minimumf %max3A_1259, %min3A_1274 : vector<16xf32>
    %max3A_1277 = arith.maximumf %max3A_1261, %min3A_1276 : vector<16xf32>
    %min3A_1278 = arith.minimumf %max3A_1261, %min3A_1276 : vector<16xf32>
    %max3A_1279 = arith.maximumf %max3A_1263, %min3A_1278 : vector<16xf32>
    %mul3A_1280 = arith.constant 32 : i32
    %mul3A_1281 = vector.broadcast %mul3A_1280 : i32 to vector<16xi32>
    %mul3A_1282 = arith.muli %iota3A, %mul3A_1281 : vector<16xi32>
    %add3A_1283 = arith.constant 27 : i32
    %add3A_1284 = vector.broadcast %add3A_1283 : i32 to vector<16xi32>
    %add3A_1285 = arith.addi %mul3A_1282, %add3A_1284 : vector<16xi32>
    %gather3A_1286 = tpu.vector_load_idx %arg7[%add3A_1285] : memref<512xf32, #tpu.memory_space<vmem>>[vector<16xi32>], vector<16xf32>,
    %add3A_1287 = arith.addf %broadcast_in_dim3A_898, %gather3A_1286 : vector<16xf32>
    %max3A_1288 = arith.maximumf %broadcast_in_dim3A_896, %add3A_1287 : vector<16xf32>
    %max3A_1289 = arith.maximumf %max3A_1273, %max3A_1288 : vector<16xf32>
    %min3A_1290 = arith.minimumf %max3A_1273, %max3A_1288 : vector<16xf32>
    %max3A_1291 = arith.maximumf %max3A_1275, %min3A_1290 : vector<16xf32>
    %min3A_1292 = arith.minimumf %max3A_1275, %min3A_1290 : vector<16xf32>
    %max3A_1293 = arith.maximumf %max3A_1277, %min3A_1292 : vector<16xf32>
    %min3A_1294 = arith.minimumf %max3A_1277, %min3A_1292 : vector<16xf32>
    %max3A_1295 = arith.maximumf %max3A_1279, %min3A_1294 : vector<16xf32>
    %mul3A_1296 = arith.constant 32 : i32
    %mul3A_1297 = vector.broadcast %mul3A_1296 : i32 to vector<16xi32>
    %mul3A_1298 = arith.muli %iota3A, %mul3A_1297 : vector<16xi32>
    %add3A_1299 = arith.constant 28 : i32
    %add3A_1300 = vector.broadcast %add3A_1299 : i32 to vector<16xi32>
    %add3A_1301 = arith.addi %mul3A_1298, %add3A_1300 : vector<16xi32>
    %gather3A_1302 = tpu.vector_load_idx %arg7[%add3A_1301] : memref<512xf32, #tpu.memory_space<vmem>>[vector<16xi32>], vector<16xf32>,
    %add3A_1303 = arith.addf %broadcast_in_dim3A_898, %gather3A_1302 : vector<16xf32>
    %max3A_1304 = arith.maximumf %broadcast_in_dim3A_896, %add3A_1303 : vector<16xf32>
    %max3A_1305 = arith.maximumf %max3A_1289, %max3A_1304 : vector<16xf32>
    %min3A_1306 = arith.minimumf %max3A_1289, %max3A_1304 : vector<16xf32>
    %max3A_1307 = arith.maximumf %max3A_1291, %min3A_1306 : vector<16xf32>
    %min3A_1308 = arith.minimumf %max3A_1291, %min3A_1306 : vector<16xf32>
    %max3A_1309 = arith.maximumf %max3A_1293, %min3A_1308 : vector<16xf32>
    %min3A_1310 = arith.minimumf %max3A_1293, %min3A_1308 : vector<16xf32>
    %max3A_1311 = arith.maximumf %max3A_1295, %min3A_1310 : vector<16xf32>
    %mul3A_1312 = arith.constant 32 : i32
    %mul3A_1313 = vector.broadcast %mul3A_1312 : i32 to vector<16xi32>
    %mul3A_1314 = arith.muli %iota3A, %mul3A_1313 : vector<16xi32>
    %add3A_1315 = arith.constant 29 : i32
    %add3A_1316 = vector.broadcast %add3A_1315 : i32 to vector<16xi32>
    %add3A_1317 = arith.addi %mul3A_1314, %add3A_1316 : vector<16xi32>
    %gather3A_1318 = tpu.vector_load_idx %arg7[%add3A_1317] : memref<512xf32, #tpu.memory_space<vmem>>[vector<16xi32>], vector<16xf32>,
    %add3A_1319 = arith.addf %broadcast_in_dim3A_898, %gather3A_1318 : vector<16xf32>
    %max3A_1320 = arith.maximumf %broadcast_in_dim3A_896, %add3A_1319 : vector<16xf32>
    %max3A_1321 = arith.maximumf %max3A_1305, %max3A_1320 : vector<16xf32>
    %min3A_1322 = arith.minimumf %max3A_1305, %max3A_1320 : vector<16xf32>
    %max3A_1323 = arith.maximumf %max3A_1307, %min3A_1322 : vector<16xf32>
    %min3A_1324 = arith.minimumf %max3A_1307, %min3A_1322 : vector<16xf32>
    %max3A_1325 = arith.maximumf %max3A_1309, %min3A_1324 : vector<16xf32>
    %min3A_1326 = arith.minimumf %max3A_1309, %min3A_1324 : vector<16xf32>
    %max3A_1327 = arith.maximumf %max3A_1311, %min3A_1326 : vector<16xf32>
    %mul3A_1328 = arith.constant 32 : i32
    %mul3A_1329 = vector.broadcast %mul3A_1328 : i32 to vector<16xi32>
    %mul3A_1330 = arith.muli %iota3A, %mul3A_1329 : vector<16xi32>
    %add3A_1331 = arith.constant 30 : i32
    %add3A_1332 = vector.broadcast %add3A_1331 : i32 to vector<16xi32>
    %add3A_1333 = arith.addi %mul3A_1330, %add3A_1332 : vector<16xi32>
    %gather3A_1334 = tpu.vector_load_idx %arg7[%add3A_1333] : memref<512xf32, #tpu.memory_space<vmem>>[vector<16xi32>], vector<16xf32>,
    %add3A_1335 = arith.addf %broadcast_in_dim3A_898, %gather3A_1334 : vector<16xf32>
    %max3A_1336 = arith.maximumf %broadcast_in_dim3A_896, %add3A_1335 : vector<16xf32>
    %max3A_1337 = arith.maximumf %max3A_1321, %max3A_1336 : vector<16xf32>
    %min3A_1338 = arith.minimumf %max3A_1321, %max3A_1336 : vector<16xf32>
    %max3A_1339 = arith.maximumf %max3A_1323, %min3A_1338 : vector<16xf32>
    %min3A_1340 = arith.minimumf %max3A_1323, %min3A_1338 : vector<16xf32>
    %max3A_1341 = arith.maximumf %max3A_1325, %min3A_1340 : vector<16xf32>
    %min3A_1342 = arith.minimumf %max3A_1325, %min3A_1340 : vector<16xf32>
    %max3A_1343 = arith.maximumf %max3A_1327, %min3A_1342 : vector<16xf32>
    %mul3A_1344 = arith.constant 32 : i32
    %mul3A_1345 = vector.broadcast %mul3A_1344 : i32 to vector<16xi32>
    %mul3A_1346 = arith.muli %iota3A, %mul3A_1345 : vector<16xi32>
    %add3A_1347 = arith.constant 31 : i32
    %add3A_1348 = vector.broadcast %add3A_1347 : i32 to vector<16xi32>
    %add3A_1349 = arith.addi %mul3A_1346, %add3A_1348 : vector<16xi32>
    %gather3A_1350 = tpu.vector_load_idx %arg7[%add3A_1349] : memref<512xf32, #tpu.memory_space<vmem>>[vector<16xi32>], vector<16xf32>,
    %add3A_1351 = arith.addf %broadcast_in_dim3A_898, %gather3A_1350 : vector<16xf32>
    %max3A_1352 = arith.maximumf %broadcast_in_dim3A_896, %add3A_1351 : vector<16xf32>
    %max3A_1353 = arith.maximumf %max3A_1337, %max3A_1352 : vector<16xf32>
    %min3A_1354 = arith.minimumf %max3A_1337, %max3A_1352 : vector<16xf32>
    %max3A_1355 = arith.maximumf %max3A_1339, %min3A_1354 : vector<16xf32>
    %min3A_1356 = arith.minimumf %max3A_1339, %min3A_1354 : vector<16xf32>
    %max3A_1357 = arith.maximumf %max3A_1341, %min3A_1356 : vector<16xf32>
    %min3A_1358 = arith.minimumf %max3A_1341, %min3A_1356 : vector<16xf32>
    %max3A_1359 = arith.maximumf %max3A_1343, %min3A_1358 : vector<16xf32>
    %add3A_1360 = arith.addf %max3A_1353, %max3A_1355 : vector<16xf32>
    %add3A_1361 = arith.addf %max3A_1357, %max3A_1359 : vector<16xf32>
    %add3A_1362 = arith.addf %add3A_1360, %add3A_1361 : vector<16xf32>
    %add3A_1363 = arith.addf %add3A_976, %add3A_1362 : vector<16xf32>
    %swap3A_1364 = arith.constant 0 : index
    %swap3A_1365 = tpu.vector_load %arg8[%swap3A_1364] {strides = array<i32>} : memref<16xf32, #tpu.memory_space<vmem>>, vector<16xf32>,
    tpu.vector_store %arg8[%swap3A_1364], %add3A_1363 {strides = array<i32>} : memref<16xf32, #tpu.memory_space<vmem>>, vector<16xf32>,
    "tpu.region"() ({
      %run_scoped3A = tpu.sem_alloc : memref<!tpu.dma_semaphore, #tpu.memory_space<semaphore_mem>>
      %dma_start3A_1366 = arith.constant 0 : i32
      %dma_start3A_1367 = tpu.memref_slice %arg4[%add3A, %dma_start3A_1366] : memref<32x16xf32, #tpu.memory_space<hbm>> -> memref<1x16xf32, #tpu.memory_space<hbm>>
      %dma_start3A_1368 = tpu.memref_squeeze %dma_start3A_1367 : memref<1x16xf32, #tpu.memory_space<hbm>> -> memref<16xf32, #tpu.memory_space<hbm>>
      %dma_start3A_1369 = arith.constant 0 : i32
      %dma_start3A_1370 = tpu.memref_slice %arg4[%add3A, %dma_start3A_1369] : memref<32x16xf32, #tpu.memory_space<hbm>> -> memref<1x16xf32, #tpu.memory_space<hbm>>
      %dma_start3A_1371 = tpu.memref_squeeze %dma_start3A_1370 : memref<1x16xf32, #tpu.memory_space<hbm>> -> memref<16xf32, #tpu.memory_space<hbm>>
      tpu.enqueue_dma source(%arg8 : memref<16xf32, #tpu.memory_space<vmem>>) target(%dma_start3A_1371 : memref<16xf32, #tpu.memory_space<hbm>>) target_semaphore(%run_scoped3A : memref<!tpu.dma_semaphore, #tpu.memory_space<semaphore_mem>>)
      %dma_wait3A_1372 = arith.constant 0 : i32
      %dma_wait3A_1373 = tpu.memref_slice %arg4[%add3A, %dma_wait3A_1372] : memref<32x16xf32, #tpu.memory_space<hbm>> -> memref<1x16xf32, #tpu.memory_space<hbm>>
      %dma_wait3A_1374 = tpu.memref_squeeze %dma_wait3A_1373 : memref<1x16xf32, #tpu.memory_space<hbm>> -> memref<16xf32, #tpu.memory_space<hbm>>
      %dma_wait3A_1375 = arith.constant 0 : i32
      %dma_wait3A_1376 = tpu.memref_slice %arg4[%add3A, %dma_wait3A_1375] : memref<32x16xf32, #tpu.memory_space<hbm>> -> memref<1x16xf32, #tpu.memory_space<hbm>>
      %dma_wait3A_1377 = tpu.memref_squeeze %dma_wait3A_1376 : memref<1x16xf32, #tpu.memory_space<hbm>> -> memref<16xf32, #tpu.memory_space<hbm>>
      tpu.wait_dma2 semaphore(%run_scoped3A : memref<!tpu.dma_semaphore, #tpu.memory_space<semaphore_mem>>) src(%arg8 : memref<16xf32, #tpu.memory_space<vmem>>) dst(%dma_wait3A_1377 : memref<16xf32, #tpu.memory_space<hbm>>)
      tpu.yield
    }) : () -> ()
    return
  }
}

</mosaic_0001>

<sc_bundles>
// kernel: ohem_completeness_loss.3.cloned.1.call-start
scs
__scs_entry_jumppad:
0x0: {  	(pc) =	sbr.rel $0x88, $3  }
0x1: {  	(tag) =	ssettag $0x0;
	lr =	simm.s32 $0x1  }
0x2: {  	[smem:$0x3F9F] =	sst lr;
	_ =	strace $0xD0000000  }
0x3: {  	_ = 	snop  }
0x4: {  	_ = 	snop  }
0x5: {  	_ = 	snop  }
0x6: {  	_ = 	snop  }
0x7: {  	_ = 	snop  }
__scs_overlays_trampoline_lowered:
0x8: {  	[smem:$0x3FAE] =	sst s0  }
0x9: {  	[smem:$0x3FAF] =	sst s1  }
0xa: {  	[smem:$0x3FB0] =	sst s2  }
0xb: {  	[smem:$0x3FB1] =	sst s3  }
0xc: {  	[smem:$0x3FB2] =	sst s4  }
0xd: {  	[smem:$0x3FB3] =	sst s5  }
0xe: {  	[smem:$0x3FB4] =	sst s6  }
0xf: {  	[smem:$0x3FB5] =	sst s7  }
0x10: {  	[smem:$0x3FB6] =	sst s8  }
0x11: {  	[smem:$0x3FB7] =	sst s9;
	s0 =	simm.s32 @!p0 $0x0  }
0x12: {  	s1 =	sld [smem:$0x3F9D];
	s0 =	simm.s32 @p0 $0x1  }
0x13: {  	[smem:$0x3FB8] =	sst s0;
	s0 =	simm.s32 @!p1 $0x0  }
0x14: {  	s2 =	sld [smem:$0x3F9C];
	s0 =	simm.s32 @p1 $0x1  }
0x15: {  	[smem:$0x3FB9] =	sst s0;
	s0 =	simm.s32 @!p2 $0x0  }
0x16: {  	s3 =	sld [smem:$0x3FDB];
	s0 =	simm.s32 @p2 $0x1  }
0x17: {  	s4 =	simm.s32 $0x1BF5;
	[smem:$0x3FBB] =	sst s0  }
0x18: {  	s0 =	sld [smem:$0x3F9E];
	_ =	swait.ge [sflag:s4], $0x0  }
0x19: {  	s7 =	sld [smem:$0x3F9F]  }
0x1a: {  	s8 =	sadd.s32 $0xFFFFE003, lr  }
0x1b: {  	s9 =	sadd.s32 $0xFFFFFEF7, lr;
	s5 =	simm.s32 $0xFFFFFFFF;
	p2 =	slt.u32 s8, $0xFFFFF086  }
0x1c: {  	p1 =	slt.u32 s9, $0xF7A;
	s5 =	simm.s32 @!p2 $0x0  }
0x1d: {  	s5 =	simm.s32 @p1 $0x1;
	p0 =	seq.s32 s7, s2  }
0x1e: {  	s7 =	smul.u32 @!p0 $0xF7A, s2;
	p2 =	seq.s32 @!p0 s5, $0x0  }
0x1f: {  	s9 =	smul.u32 $0xF7A, s1;
	s8 =	simm.s32 @!p0 $0x1BF5;
	p2 =	por !p2, p0  }
0x20: {  	[sflag:s8] =	ssyncset.s32 @!p0 $0xFFFFF086;
	s6 =	sadd.s32 @!p0 s3, s7;
	s7 =	simm.s32 @!p0 $0x108  }
0x21: {  	s3 =	sadd.s32 s3, s9;
	s6 =	sadd.s32 @!p0 $0x88, s6;
	s7 =	simm.s32 @p2 $0x1082  }
0x22: {  	[simem:s7], [sflag:s8] =	dma.local @!p0 [hbm:s6], $0xF7A  }
0x23: {  	s9 =	sor.u32 $0xD0000000, s2;
	s6 =	simm.s32 $0x108;
	_ =	swait.ge @!p0 [sflag:s8], $0x0  }
0x24: {  	s3 =	sadd.s32 $0x88, s3;
	s6 =	simm.s32 @!p1 $0x1082;
	[sflag:s4] =	ssyncset.s32 $0xFFFFF086  }
0x25: {  	[simem:s6], [sflag:s4] =	dma.local [hbm:s3], $0xF7A  }
0x26: {  	[smem:$0x3F9F] =	sst s1;
	(tag) =	ssettag s2;
	_ =	strace s9  }
0x27: {  	s1 =	sld [smem:$0x3FAF]  }
0x28: {  	s2 =	sld [smem:$0x3FB0]  }
0x29: {  	s4 =	sld [smem:$0x3FB2]  }
0x2a: {  	p0 =	seq.s32 s5, $0x0;
	s5 =	sld [smem:$0x3FB3]  }
0x2b: {  	s6 =	sld [smem:$0x3FB4]  }
0x2c: {  	s7 =	sld [smem:$0x3FB5]  }
0x2d: {  	s3 =	simm.s32 $0x108;
	s8 =	sld [smem:$0x3FB6]  }
0x2e: {  	s3 =	simm.s32 @!p0 $0x1082;
	s9 =	sld [smem:$0x3FB7]  }
0x2f: {  	lr =	sadd.s32 s0, s3;
	s0 =	sld [smem:$0x3FAE]  }
0x30: {  	s3 =	sld [smem:$0x3FB1]  }
0x31: {  	[smem:$0x3FBA] =	sst s10  }
0x32: {  	s10 =	sld [smem:$0x3FB8];
	_ =	sdelay $0x3  }
0x33: {  	p0 =	seq.s32 s10, $0x1;
	s10 =	sld [smem:$0x3FBA];
	_ =	sdelay $0x3  }
0x34: {  	[smem:$0x3FBA] =	sst s10  }
0x35: {  	s10 =	sld [smem:$0x3FB9];
	_ =	sdelay $0x3  }
0x36: {  	p1 =	seq.s32 s10, $0x1;
	s10 =	sld [smem:$0x3FBA];
	_ =	sdelay $0x3  }
0x37: {  	[smem:$0x3FBA] =	sst s10  }
0x38: {  	s10 =	sld [smem:$0x3FBB]  }
0x39: {  	_ = 	snop;
	(pc) =	sbr.ind lr, $3  }
0x3a: {  	_ = 	snop  }
0x3b: {  	_ = 	snop  }
0x3c: {  	p2 =	seq.s32 s10, $0x1;
	s10 =	sld [smem:$0x3FBA]  }
0x3d: {  	_ =	shalt  }
0x3e: {  	_ =	shalt  }
0x3f: {  	_ =	shalt  }
0x40: {  	_ =	shalt  }
0x41: {  	_ =	shalt  }
0x42: {  	_ =	shalt  }
0x43: {  	_ =	shalt  }
0x44: {  	_ =	shalt  }
0x45: {  	_ =	shalt  }
0x46: {  	_ =	shalt  }
0x47: {  	_ =	shalt  }
0x48: {  	_ =	shalt  }
0x49: {  	_ =	shalt  }
0x4a: {  	_ =	shalt  }
0x4b: {  	_ =	shalt  }
0x4c: {  	_ =	shalt  }
0x4d: {  	_ =	shalt  }
0x4e: {  	_ =	shalt  }
0x4f: {  	_ =	shalt  }
0x50: {  	_ =	shalt  }
0x51: {  	_ =	shalt  }
0x52: {  	_ =	shalt  }
0x53: {  	_ =	shalt  }
0x54: {  	_ =	shalt  }
0x55: {  	_ =	shalt  }
0x56: {  	_ =	shalt  }
0x57: {  	_ =	shalt  }
0x58: {  	_ =	shalt  }
0x59: {  	_ =	shalt  }
0x5a: {  	_ =	shalt  }
0x5b: {  	_ =	shalt  }
0x5c: {  	_ =	shalt  }
0x5d: {  	_ =	shalt  }
0x5e: {  	_ =	shalt  }
0x5f: {  	_ =	shalt  }
0x60: {  	_ =	shalt  }
0x61: {  	_ =	shalt  }
0x62: {  	_ =	shalt  }
0x63: {  	_ =	shalt  }
0x64: {  	_ =	shalt  }
0x65: {  	_ =	shalt  }
0x66: {  	_ =	shalt  }
0x67: {  	_ =	shalt  }
0x68: {  	_ =	shalt  }
0x69: {  	_ =	shalt  }
0x6a: {  	_ =	shalt  }
0x6b: {  	_ =	shalt  }
0x6c: {  	_ =	shalt  }
0x6d: {  	_ =	shalt  }
0x6e: {  	_ =	shalt  }
0x6f: {  	_ =	shalt  }
0x70: {  	_ =	shalt  }
0x71: {  	_ =	shalt  }
0x72: {  	_ =	shalt  }
0x73: {  	_ =	shalt  }
0x74: {  	_ =	shalt  }
0x75: {  	_ =	shalt  }
0x76: {  	_ =	shalt  }
0x77: {  	_ =	shalt  }
0x78: {  	_ =	shalt  }
0x79: {  	_ =	shalt  }
0x7a: {  	_ =	shalt  }
0x7b: {  	_ =	shalt  }
0x7c: {  	_ =	shalt  }
0x7d: {  	_ =	shalt  }
0x7e: {  	_ =	shalt  }
0x7f: {  	_ =	shalt  }
0x80: {  	_ =	shalt  }
0x81: {  	_ =	shalt  }
0x82: {  	_ =	shalt  }
0x83: {  	_ =	shalt  }
0x84: {  	_ =	shalt  }
0x85: {  	_ =	shalt  }
0x86: {  	_ =	shalt  }
0x87: {  	_ =	shalt  }
.Lfunc_end0:
.L_simem_size_0:
called_computation_lowered:
.L_overlay_start_0:
0x88: {  	s2 =	sld [smem:$0x3FD9]  }
0x89: {  	s3 =	sld [smem:$0x3FFE];
	_ =	sdelay $0x1  }
0x8a: {  	s1 =	srdreg.scid  }
0x8b: {  	s0 =	sand.u32 $0x1, s1  }
0x8c: {  	s17 =	sshll.u32 s0, $0xA;
	s2 =	sadd.s32 s3, s2  }
0x8d: {  	s2 =	sadd.s32 s2, s17  }
0x8e: {  	[smem:$0x3FC6] =	sst s2  }
0x8f: {  	_ = 	snop  }
0x90: {  	s2 =	sld [smem:$0x3FC9]  }
0x91: {  	s18 =	sld [smem:$0x3FC8];
	(tm) =	ssettm $0x1  }
0x92: {  	s4 =	sld [smem:$0x3FFB];
	_ =	sdelay $0x3  }
0x93: {  	_ =	strace s4  }
0x94: {  	s4 =	sld [smem:$0x3FFC];
	_ =	sdelay $0x3  }
0x95: {  	_ =	strace s4  }
0x96: {  	s4 =	sld [smem:$0x3FFD];
	_ =	sdelay $0x3  }
0x97: {  	_ =	strace s4  }
0x98: {  	_ =	strace $0x8FFFFFFF  }
0x99: {  	s19 =	sld [smem:$0x3FDB];
	_ =	sdelay $0x1  }
0x9a: {  	s5 =	simm.s32 $_scs_section_size  }
0x9b: {  	s6 =	simm.s32 $_size__tile_overlayer_lowered;
	s7 =	simm.s32 $_tile_overlayer_lowered  }
0x9c: {  	s22 =	simm.s32 $0x1BFF;
	s21 =	sshll.u32 s7, $0x1;
	s4 =	sadd.s32 s5, s19  }
0x9d: {  	s8 =	simm.s32 $0x0;
	s20 =	sshll.u32 s6, $0x1;
	s6 =	sadd.s32 s21, s4  }
0x9e: {  	[timem:s8], [sflag:s22] =	dma.local [hbm:s6], s20  }
0x9f: {  	_ =	swait.ge [sflag:s22], s20  }
0xa0: {  	s5 =	ssub.s32 $0x0, s20;
	[sflag:s22] =	ssyncset.done $0x0  }
0xa1: {  	[sflag:s22] =	ssyncadd.s32 s5;
	_ =	sdelay $0x1  }
0xa2: {  	s23 =	simm.s32 $0x1B8B  }
0xa3: {  	_ =	swait.ge [sflag:s23], $0x1  }
0xa4: {  	[sflag:s23] =	ssyncset.done $0x0  }
0xa5: {  	s25 =	simm.s32 $0x1B8E;
	s24 =	sld [smem:$0x3FFE];
	[sflag:s23] =	ssyncadd.s32 $0xFFFFFFFF  }
0xa6: {  	s26 =	simm.s32 $execute0_lowered;
	[smem:$0x3FD2] =	sst s25  }
0xa7: {  	s6 =	sshll.u32 s26, $0x1;
	_ =	strace $0x80000046;
	[dreg:$0x1] =	wrdreg $0xFFFFFFFF  }
0xa8: {  	s28 =	simm.s32 $_size_execute0_lowered;
	s4 =	sadd.s32 s4, s6;
	[dreg:$0x0] =	wrdreg $0x0  }
0xa9: {  	s6 =	sshll.u32 s28, $0x1;
	[dreg:$0x2] =	wrdreg s4  }
0xaa: {  	[dreg:$0x3] =	wrdreg s6  }
0xab: {  	[dreg:$0x4] =	wrdreg $0xC0  }
0xac: {  	_ =	task [dreg:s8], $0x5FFFF  }
0xad: {  	[dreg:$0x1] =	wrdreg $0xFFFFFFFF  }
0xae: {  	[dreg:$0x0] =	wrdreg $0x60  }
0xaf: {  	[dreg:$0x2] =	wrdreg s2  }
0xb0: {  	[dreg:$0x3] =	wrdreg s18  }
0xb1: {  	[dreg:$0x4] =	wrdreg s24  }
0xb2: {  	[dreg:$0x5] =	wrdreg $0x9  }
0xb3: {  	_ =	task.clear_ibuf [dreg:s8], $0x6FFFF;
	_ =	strace $0x90000046  }
0xb4: {  	s29 =	simm.s32 $0x9;
	_ =	strace $0x80000048  }
0xb5: {  	_ =	swait.ge [sflag:s29], $0x1  }
0xb6: {  	[sflag:s29] =	ssyncadd.s32 $0xFFFFFFFF  }
0xb7: {  	_ =	strace $0x90000048  }
0xb8: {  	_ =	sfence  }
0xb9: {  	s30 =	sld [smem:$0x0];
	_ =	sdelay $0x2  }
0xba: {  	s31 =	sshll.u32 s1, $0xD;
	s1 =	sshrl.u32 s1, $0x2  }
0xbb: {  	s3 =	sand.u32 $0x4000, s31;
	s1 =	sadd.s32 s1, s30  }
0xbc: {  	s0 =	sor.u32 s3, s0;
	s1 =	sshll.u32 s1, $0x11  }
0xbd: {  	s0 =	sor.u32 s1, s0  }
0xbe: {  	s0 =	sadd.s32 $0x8F2B, s0  }
0xbf: {  	[sflag:s0] =	ssyncadd.remote.s32 $0x1  }
0xc0: {  	_ =	sfence.sel $0xFFFF  }
0xc1: {  	[dreg:$0x0] =	wrdreg $0xFFFFFFFF;
	(pc) =	sbr.abs _section_cstart, $3  }
0xc2: {  	[dreg:$0x1] =	wrdreg $0xFFFFFFFF  }
0xc3: {  	_ =	task.clear_ibuf [dreg:s8], $0x2FFFF;
	_ =	strace $0x9FFFFFFF  }
0xc4: {  	(tm) =	ssettm $0x7FFFFFFF  }
0xc5: {  	_ =	shalt  }
tec
execute0_lowered:
.L_overlay_start_1:
0x0: {  	(tag) =	ssettag $0x1  }
0x1: {  	v0 =	vimm.s32 $0x1380  }
0x2: {  	vm14 =	vcmask $0x300;
	vm13 =	vcmask $0x704;
	vm12 =	vcmask $0xB08  }
0x3: {  	vm11 =	vcmask $0xF0C;
	vm10 =	vcmask $0x1310;
	vm9 =	vcmask $0x1714  }
0x4: {  	vm8 =	vcmask $0x1B18;
	vm7 =	vcmask $0x1F1C;
	vm6 =	vcmask $0x2320  }
0x5: {  	vm5 =	vcmask $0x2724;
	vm4 =	vcmask $0x2B28;
	vm3 =	vcmask $0x2F2C  }
0x6: {  	vm1 =	vcmask $0x3330;
	vm0 =	vcmask $0x3734;
	v0 =	vsel vm14, $0x0, v0  }
0x7: {  	vm2 =	vcmask $0x3B38;
	v2 =	vimm.s32 $0x3380;
	v0 =	vsel vm13, $0x80, v0  }
0x8: {  	v6 =	vlaneseq.u32;
	v3 =	vimm.s32 $0x5380;
	v0 =	vsel vm12, $0x100, v0  }
0x9: {  	v4 =	vimm.s32 $0x7380;
	v3 =	vsel vm14, $0x4000, v3;
	v0 =	vsel vm11, $0x180, v0  }
0xa: {  	v4 =	vsel vm14, $0x6000, v4;
	v16 =	vor.u32 $0xC0, v6;
	v0 =	vsel vm10, $0x200, v0  }
0xb: {  	v17 =	vor.u32 $0xD0, v6;
	v18 =	vor.u32 $0xE0, v6;
	v0 =	vsel vm9, $0x280, v0  }
0xc: {  	v19 =	vor.u32 $0xF0, v6;
	v20 =	vor.u32 $0x100, v6;
	v0 =	vsel vm8, $0x300, v0  }
0xd: {  	v21 =	vor.u32 $0x110, v6;
	v22 =	vor.u32 $0x120, v6;
	v0 =	vsel vm7, $0x380, v0  }
0xe: {  	v23 =	vor.u32 $0x130, v6;
	v24 =	vor.u32 $0x140, v6;
	v0 =	vsel vm6, $0x1000, v0  }
0xf: {  	v25 =	vor.u32 $0x150, v6;
	v26 =	vor.u32 $0x160, v6;
	v0 =	vsel vm5, $0x1080, v0  }
0x10: {  	v27 =	vor.u32 $0x170, v6;
	v28 =	vor.u32 $0x180, v6;
	v0 =	vsel vm4, $0x1100, v0  }
0x11: {  	v29 =	vor.u32 $0x190, v6;
	v30 =	vor.u32 $0x1A0, v6;
	v0 =	vsel vm3, $0x1180, v0  }
0x12: {  	v31 =	vor.u32 $0x1B0, v6;
	v32 =	vor.u32 $0x1C0, v6;
	v0 =	vsel vm1, $0x1200, v0  }
0x13: {  	v33 =	vmul.u32 $0x20, v6;
	v34 =	vor.u32 $0x1D0, v6;
	v0 =	vsel vm0, $0x1280, v0  }
0x14: {  	v35 =	vor.u32 $0x1E0, v6;
	v1 =	vsel vm2, $0x1300, v0;
	v0 =	vsel vm14, $0x2000, v2  }
0x15: {  	v36 =	vor.u32 $0x1F0, v6;
	v3 =	vsel vm13, $0x4080, v3;
	v0 =	vsel vm13, $0x2080, v0  }
0x16: {  	v4 =	vsel vm13, $0x6080, v4;
	v3 =	vsel vm12, $0x4100, v3;
	v0 =	vsel vm12, $0x2100, v0  }
0x17: {  	v4 =	vsel vm12, $0x6100, v4;
	v37 =	vor.u32 $0x1, v33;
	v0 =	vsel vm11, $0x2180, v0  }
0x18: {  	v38 =	vor.u32 $0x2, v33;
	v39 =	vor.u32 $0x3, v33;
	v0 =	vsel vm10, $0x2200, v0  }
0x19: {  	v40 =	vor.u32 $0x4, v33;
	v3 =	vsel vm11, $0x4180, v3;
	v0 =	vsel vm9, $0x2280, v0  }
0x1a: {  	v41 =	vor.u32 $0x5, v33;
	v3 =	vsel vm10, $0x4200, v3;
	v0 =	vsel vm8, $0x2300, v0  }
0x1b: {  	v4 =	vsel vm11, $0x6180, v4;
	v3 =	vsel vm9, $0x4280, v3;
	v0 =	vsel vm7, $0x2380, v0  }
0x1c: {  	v4 =	vsel vm10, $0x6200, v4;
	v3 =	vsel vm8, $0x4300, v3;
	v0 =	vsel vm6, $0x3000, v0  }
0x1d: {  	v4 =	vsel vm9, $0x6280, v4;
	v3 =	vsel vm7, $0x4380, v3;
	v0 =	vsel vm5, $0x3080, v0  }
0x1e: {  	v4 =	vsel vm8, $0x6300, v4;
	v3 =	vsel vm6, $0x5000, v3;
	v0 =	vsel vm4, $0x3100, v0  }
0x1f: {  	v4 =	vsel vm7, $0x6380, v4;
	v3 =	vsel vm5, $0x5080, v3;
	v0 =	vsel vm3, $0x3180, v0  }
0x20: {  	v4 =	vsel vm6, $0x7000, v4;
	v3 =	vsel vm4, $0x5100, v3;
	v0 =	vsel vm1, $0x3200, v0  }
0x21: {  	s3 =	rddreg [dreg:$0x0];
	v4 =	vsel vm5, $0x7080, v4;
	v5 =	vsel vm3, $0x5180, v3;
	v0 =	vsel vm0, $0x3280, v0  }
0x22: {  	s5 =	rddreg [dreg:$0x1];
	v4 =	vsel vm4, $0x7100, v4;
	v3 =	vsel vm2, $0x3300, v0;
	v0 =	vsel vm1, $0x5200, v5  }
0x23: {  	s4 =	rddreg [dreg:$0x2];
	v2 =	vor.u32 $0x10, v6;
	v5 =	vsel vm3, $0x7180, v4;
	v0 =	vsel vm0, $0x5280, v0  }
0x24: {  	s0 =	rddreg [dreg:$0x3];
	[tilespmem:$0x1FF50] =	vst v2;
	v7 =	vsel vm1, $0x7200, v5;
	v5 =	vsel vm2, $0x5300, v0;
	v0 =	vor.u32 $0x30, v6  }
0x25: {  	s6 =	srdreg.scid;
	s1 =	stileid.u32;
	s2 =	simm.s32 $0x0;
	v42 =	vor.u32 $0x6, v33;
	v2 =	vor.u32 $0x20, v6;
	[tilespmem:$0x1FF70] =	vst v0;
	v0 =	vsel vm0, $0x7280, v7  }
0x26: {  	s14 =	simm.s32 $0x200;
	s15 =	simm.s32 $0x8200;
	s16 =	simm.s32 $0x2;
	v45 =	vor.u32 $0x9, v33;
	[tilespmem:$0x1FF60] =	vst v2;
	v7 =	vsel vm2, $0x7300, v0;
	v0 =	vor.u32 $0x40, v6  }
0x27: {  	s17 =	simm.s32 $0x10200;
	s18 =	simm.s32 $0x1;
	s19 =	simm.s32 $0x18200;
	v46 =	vor.u32 $0xA, v33;
	v47 =	vor.u32 $0xB, v33;
	[tilespmem:$0x1FF80] =	vst v0;
	v0 =	vor.u32 $0x50, v6  }
0x28: {  	s20 =	simm.s32 $0x18400;
	s6 =	sand.u32 $0x1, s6;
	s7 =	sshll.u32 s1, $0x1;
	v48 =	vor.u32 $0xC, v33;
	v49 =	vor.u32 $0xD, v33;
	[tilespmem:$0x1FF90] =	vst v0;
	v0 =	vor.u32 $0x60, v6  }
0x29: {  	[smem:$0x7FF] =	sst s2;
	s7 =	sor.u32 s6, s7;
	s28 =	ssub.s32 $0x2, s6;
	v50 =	vor.u32 $0xE, v33;
	v51 =	vor.u32 $0xF, v33;
	[tilespmem:$0x1FFA0] =	vst v0;
	v0 =	vor.u32 $0x70, v6  }
0x2a: {  	s8 =	sshll.u32 s7, $0x4;
	s29 =	sshll.u32 s7, $0xF;
	s30 =	sshrl.u32 s28, $0x1;
	v52 =	vor.u32 $0x10, v33;
	v53 =	vor.u32 $0x11, v33;
	[tilespmem:$0x1FFB0] =	vst v0;
	v0 =	vor.u32 $0x80, v6  }
0x2b: {  	s31 =	sshll.u32 s7, $0x6;
	v54 =	vor.u32 $0x12, v33;
	v55 =	vor.u32 $0x13, v33;
	s12 =	sadd.s32 s8, s4;
	s3 =	sadd.s32 s3, s29;
	[tilespmem:$0x1FFC0] =	vst v0;
	v0 =	vor.u32 $0x90, v6  }
0x2c: {  	v56 =	vor.u32 $0x14, v33;
	v57 =	vor.u32 $0x15, v33;
	s13 =	ssub.s32 s28, s30;
	s5 =	sadd.s32 s5, s31;
	s4 =	sadd.s32 $0x1000, s3;
	[tilespmem:$0x1FFD0] =	vst v0;
	v0 =	vor.u32 $0xA0, v6  }
0x2d: {  	v43 =	vor.u32 $0x7, v33;
	v58 =	vor.u32 $0x16, v33;
	s6 =	sadd.s32 $0x2000, s3;
	s7 =	sadd.s32 $0x3000, s3;
	s8 =	sadd.s32 $0x4000, s3;
	[tilespmem:$0x1FFE0] =	vst v0;
	v0 =	vor.u32 $0xB0, v6  }
0x2e: {  	v44 =	vor.u32 $0x8, v33;
	v59 =	vor.u32 $0x17, v33;
	v60 =	vor.u32 $0x18, v33;
	s9 =	sadd.s32 $0x5000, s3;
	s10 =	sadd.s32 $0x6000, s3;
	s11 =	sadd.s32 $0x7000, s3;
	[tilespmem:$0x1FFF0] =	vst v0  }
0x2f: {  	v61 =	vor.u32 $0x19, v33;
	v62 =	vor.u32 $0x1A, v33;
	v63 =	vor.u32 $0x1B, v33;
	s12 =	sadd.s32 $0x400, s12;
	s13 =	smax.u32 s13, $0x1;
	_ =	strace $0x80000047  }
.LBB2_1:
0x30: {  	[tilespmem:s14], [sflag:$0x1] =	stream.linear.gather [hbm4b:s3+s2], $0x8000, $0x38;
	[tilespmem:$0x18480] =	vst v63  }
0x31: {  	_ = 	snop  }
0x32: {  	[tilespmem:s15], [sflag:$0x1] =	stream.linear.gather [hbm4b:s4+s2], $0x8000, $0x38;
	[tilespmem:$0x18480] =	vst v63  }
0x33: {  	_ = 	snop  }
0x34: {  	[tilespmem:s2], [sflag:$0x2] =	stream.linear.gather [hbm4b:s5+s2], $0x200, $0x38;
	[tilespmem:$0x18480] =	vst v63  }
0x35: {  	_ =	swait.ge [sflag:s16], $0x200  }
0x36: {  	[sflag:s16] =	ssyncset.done $0x0  }
0x37: {  	v0 =	vlaneseq.u32;
	[sflag:s16] =	ssyncadd.s32 $0xFFFFFE00  }
0x38: {  	[tilespmem:s17], [sflag:$0x1] =	stream.linear.gather [hbm4b:s6+s2], $0x8000, $0x38;
	[tilespmem:$0x18480] =	vst v63  }
0x39: {  	_ =	swait.ge [sflag:s18], $0x8000  }
0x3a: {  	[sflag:s18] =	ssyncset.done $0x0  }
0x3b: {  	[sflag:s18] =	ssyncadd.s32 $0xFFFF8000  }
0x3c: {  	v0 =	vld.idx.msk [tilespmem:v0+s2+$0x0], $0xffff;
	_ =	sdelay $0x4  }
0x3d: {  	v0 =	vadd.s32 $0x1FF, v0  }
0x3e: {  	v2 =	vshll.u32 v0, $0x3  }
0x3f: {  	v0 =	vand.u32 $0x7F, v0;
	v2 =	vand.u32 $0xC00, v2  }
0x40: {  	v0 =	vor.u32 v2, v0  }
0x41: {  	v0 =	vor.u32 v1, v0;
	_ =	sdelay $0x4  }
0x42: {  	v0 =	vld.idx.msk [tilespmem:v0+s14+$0x0], $0xffff;
	_ =	sdelay $0x4  }
0x43: {  	[tilespmem:$0x18200] =	vst v0;
	v0 =	vld [tilespmem:$0x1FF50];
	_ =	sdelay $0x7  }
0x44: {  	v0 =	vld.idx.msk [tilespmem:v0+s2+$0x0], $0xffff;
	_ =	sdelay $0x4  }
0x45: {  	v0 =	vadd.s32 $0x1FF, v0  }
0x46: {  	v2 =	vshll.u32 v0, $0x3  }
0x47: {  	v0 =	vand.u32 $0x7F, v0;
	v2 =	vand.u32 $0xC00, v2  }
0x48: {  	v0 =	vor.u32 v2, v0  }
0x49: {  	v0 =	vor.u32 v3, v0;
	_ =	sdelay $0x4  }
0x4a: {  	v0 =	vld.idx.msk [tilespmem:v0+s14+$0x0], $0xffff;
	_ =	sdelay $0x4  }
0x4b: {  	[tilespmem:$0x18210] =	vst v0;
	v0 =	vld [tilespmem:$0x1FF60];
	_ =	sdelay $0x7  }
0x4c: {  	v0 =	vld.idx.msk [tilespmem:v0+s2+$0x0], $0xffff;
	_ =	sdelay $0x4  }
0x4d: {  	v0 =	vadd.s32 $0x1FF, v0  }
0x4e: {  	v2 =	vshll.u32 v0, $0x3  }
0x4f: {  	v0 =	vand.u32 $0x7F, v0;
	v2 =	vand.u32 $0xC00, v2  }
0x50: {  	v0 =	vor.u32 v2, v0  }
0x51: {  	v0 =	vor.u32 v5, v0;
	_ =	sdelay $0x4  }
0x52: {  	v0 =	vld.idx.msk [tilespmem:v0+s14+$0x0], $0xffff;
	_ =	sdelay $0x4  }
0x53: {  	[tilespmem:$0x18220] =	vst v0;
	v0 =	vld [tilespmem:$0x1FF70];
	_ =	sdelay $0x7  }
0x54: {  	v0 =	vld.idx.msk [tilespmem:v0+s2+$0x0], $0xffff;
	_ =	sdelay $0x4  }
0x55: {  	v0 =	vadd.s32 $0x1FF, v0  }
0x56: {  	v2 =	vshll.u32 v0, $0x3  }
0x57: {  	v0 =	vand.u32 $0x7F, v0;
	v2 =	vand.u32 $0xC00, v2  }
0x58: {  	v0 =	vor.u32 v2, v0  }
0x59: {  	v0 =	vor.u32 v7, v0;
	_ =	sdelay $0x4  }
0x5a: {  	v0 =	vld.idx.msk [tilespmem:v0+s14+$0x0], $0xffff;
	_ =	sdelay $0x4  }
0x5b: {  	[tilespmem:$0x18230] =	vst v0  }
0x5c: {  	[tilespmem:s14], [sflag:$0x1] =	stream.linear.gather [hbm4b:s7+s2], $0x8000, $0x38;
	[tilespmem:$0x18480] =	vst v63  }
0x5d: {  	_ =	swait.ge [sflag:s18], $0x8000  }
0x5e: {  	v0 =	vld [tilespmem:$0x1FF80];
	_ =	sdelay $0x5  }
0x5f: {  	[sflag:s18] =	ssyncset.done $0x0  }
0x60: {  	[sflag:s18] =	ssyncadd.s32 $0xFFFF8000  }
0x61: {  	v0 =	vld.idx.msk [tilespmem:v0+s2+$0x0], $0xffff;
	_ =	sdelay $0x4  }
0x62: {  	v0 =	vadd.s32 $0x1FF, v0  }
0x63: {  	v2 =	vshll.u32 v0, $0x3  }
0x64: {  	v0 =	vand.u32 $0x7F, v0;
	v2 =	vand.u32 $0xC00, v2  }
0x65: {  	v0 =	vor.u32 v2, v0  }
0x66: {  	v0 =	vor.u32 v1, v0;
	_ =	sdelay $0x4  }
0x67: {  	v0 =	vld.idx.msk [tilespmem:v0+s15+$0x0], $0xffff;
	_ =	sdelay $0x4  }
0x68: {  	[tilespmem:$0x18240] =	vst v0;
	v0 =	vld [tilespmem:$0x1FF90];
	_ =	sdelay $0x7  }
0x69: {  	v0 =	vld.idx.msk [tilespmem:v0+s2+$0x0], $0xffff;
	_ =	sdelay $0x4  }
0x6a: {  	v0 =	vadd.s32 $0x1FF, v0  }
0x6b: {  	v2 =	vshll.u32 v0, $0x3  }
0x6c: {  	v0 =	vand.u32 $0x7F, v0;
	v2 =	vand.u32 $0xC00, v2  }
0x6d: {  	v0 =	vor.u32 v2, v0  }
0x6e: {  	v0 =	vor.u32 v3, v0;
	_ =	sdelay $0x4  }
0x6f: {  	v0 =	vld.idx.msk [tilespmem:v0+s15+$0x0], $0xffff;
	_ =	sdelay $0x4  }
0x70: {  	[tilespmem:$0x18250] =	vst v0;
	v0 =	vld [tilespmem:$0x1FFA0];
	_ =	sdelay $0x7  }
0x71: {  	v0 =	vld.idx.msk [tilespmem:v0+s2+$0x0], $0xffff;
	_ =	sdelay $0x4  }
0x72: {  	v0 =	vadd.s32 $0x1FF, v0  }
0x73: {  	v2 =	vshll.u32 v0, $0x3  }
0x74: {  	v0 =	vand.u32 $0x7F, v0;
	v2 =	vand.u32 $0xC00, v2  }
0x75: {  	v0 =	vor.u32 v2, v0  }
0x76: {  	v0 =	vor.u32 v5, v0;
	_ =	sdelay $0x4  }
0x77: {  	v0 =	vld.idx.msk [tilespmem:v0+s15+$0x0], $0xffff;
	_ =	sdelay $0x4  }
0x78: {  	[tilespmem:$0x18260] =	vst v0;
	v0 =	vld [tilespmem:$0x1FFB0];
	_ =	sdelay $0x7  }
0x79: {  	v0 =	vld.idx.msk [tilespmem:v0+s2+$0x0], $0xffff;
	_ =	sdelay $0x4  }
0x7a: {  	v0 =	vadd.s32 $0x1FF, v0  }
0x7b: {  	v2 =	vshll.u32 v0, $0x3  }
0x7c: {  	v0 =	vand.u32 $0x7F, v0;
	v2 =	vand.u32 $0xC00, v2  }
0x7d: {  	v0 =	vor.u32 v2, v0  }
0x7e: {  	v0 =	vor.u32 v7, v0;
	_ =	sdelay $0x4  }
0x7f: {  	v0 =	vld.idx.msk [tilespmem:v0+s15+$0x0], $0xffff;
	_ =	sdelay $0x4  }
0x80: {  	[tilespmem:$0x18270] =	vst v0  }
0x81: {  	[tilespmem:s15], [sflag:$0x1] =	stream.linear.gather [hbm4b:s8+s2], $0x8000, $0x38;
	[tilespmem:$0x18480] =	vst v63  }
0x82: {  	_ =	swait.ge [sflag:s18], $0x8000  }
0x83: {  	v0 =	vld [tilespmem:$0x1FFC0];
	_ =	sdelay $0x5  }
0x84: {  	[sflag:s18] =	ssyncset.done $0x0  }
0x85: {  	[sflag:s18] =	ssyncadd.s32 $0xFFFF8000  }
0x86: {  	v0 =	vld.idx.msk [tilespmem:v0+s2+$0x0], $0xffff;
	_ =	sdelay $0x4  }
0x87: {  	v0 =	vadd.s32 $0x1FF, v0  }
0x88: {  	v2 =	vshll.u32 v0, $0x3  }
0x89: {  	v0 =	vand.u32 $0x7F, v0;
	v2 =	vand.u32 $0xC00, v2  }
0x8a: {  	v0 =	vor.u32 v2, v0  }
0x8b: {  	v0 =	vor.u32 v1, v0;
	_ =	sdelay $0x4  }
0x8c: {  	v0 =	vld.idx.msk [tilespmem:v0+s17+$0x0], $0xffff;
	_ =	sdelay $0x4  }
0x8d: {  	[tilespmem:$0x18280] =	vst v0;
	v0 =	vld [tilespmem:$0x1FFD0];
	_ =	sdelay $0x7  }
0x8e: {  	v0 =	vld.idx.msk [tilespmem:v0+s2+$0x0], $0xffff;
	_ =	sdelay $0x4  }
0x8f: {  	v0 =	vadd.s32 $0x1FF, v0  }
0x90: {  	v2 =	vshll.u32 v0, $0x3  }
0x91: {  	v0 =	vand.u32 $0x7F, v0;
	v2 =	vand.u32 $0xC00, v2  }
0x92: {  	v0 =	vor.u32 v2, v0  }
0x93: {  	v0 =	vor.u32 v3, v0;
	_ =	sdelay $0x4  }
0x94: {  	v0 =	vld.idx.msk [tilespmem:v0+s17+$0x0], $0xffff;
	_ =	sdelay $0x4  }
0x95: {  	[tilespmem:$0x18290] =	vst v0;
	v0 =	vld [tilespmem:$0x1FFE0];
	_ =	sdelay $0x7  }
0x96: {  	v0 =	vld.idx.msk [tilespmem:v0+s2+$0x0], $0xffff;
	_ =	sdelay $0x4  }
0x97: {  	v0 =	vadd.s32 $0x1FF, v0  }
0x98: {  	v2 =	vshll.u32 v0, $0x3  }
0x99: {  	v0 =	vand.u32 $0x7F, v0;
	v2 =	vand.u32 $0xC00, v2  }
0x9a: {  	v0 =	vor.u32 v2, v0  }
0x9b: {  	v0 =	vor.u32 v5, v0;
	_ =	sdelay $0x4  }
0x9c: {  	v0 =	vld.idx.msk [tilespmem:v0+s17+$0x0], $0xffff;
	_ =	sdelay $0x4  }
0x9d: {  	[tilespmem:$0x182A0] =	vst v0;
	v0 =	vld [tilespmem:$0x1FFF0];
	_ =	sdelay $0x7  }
0x9e: {  	v0 =	vld.idx.msk [tilespmem:v0+s2+$0x0], $0xffff;
	_ =	sdelay $0x4  }
0x9f: {  	v0 =	vadd.s32 $0x1FF, v0  }
0xa0: {  	v2 =	vshll.u32 v0, $0x3  }
0xa1: {  	v0 =	vand.u32 $0x7F, v0;
	v2 =	vand.u32 $0xC00, v2  }
0xa2: {  	v0 =	vor.u32 v2, v0  }
0xa3: {  	v0 =	vor.u32 v7, v0;
	_ =	sdelay $0x4  }
0xa4: {  	v0 =	vld.idx.msk [tilespmem:v0+s17+$0x0], $0xffff;
	_ =	sdelay $0x4  }
0xa5: {  	[tilespmem:$0x182B0] =	vst v0  }
0xa6: {  	[tilespmem:s17], [sflag:$0x1] =	stream.linear.gather [hbm4b:s9+s2], $0x8000, $0x38;
	[tilespmem:$0x18480] =	vst v63  }
0xa7: {  	_ =	swait.ge [sflag:s18], $0x8000  }
0xa8: {  	[sflag:s18] =	ssyncset.done $0x0  }
0xa9: {  	[sflag:s18] =	ssyncadd.s32 $0xFFFF8000  }
0xaa: {  	v0 =	vld.idx.msk [tilespmem:v16+s2+$0x0], $0xffff;
	_ =	sdelay $0x4  }
0xab: {  	v0 =	vadd.s32 $0x1FF, v0  }
0xac: {  	v2 =	vshll.u32 v0, $0x3  }
0xad: {  	v0 =	vand.u32 $0x7F, v0;
	v2 =	vand.u32 $0xC00, v2  }
0xae: {  	v0 =	vor.u32 v2, v0  }
0xaf: {  	v0 =	vor.u32 v1, v0;
	_ =	sdelay $0x4  }
0xb0: {  	v0 =	vld.idx.msk [tilespmem:v0+s14+$0x0], $0xffff;
	_ =	sdelay $0x4  }
0xb1: {  	[tilespmem:$0x182C0] =	vst v0  }
0xb2: {  	v0 =	vld.idx.msk [tilespmem:v17+s2+$0x0], $0xffff;
	_ =	sdelay $0x4  }
0xb3: {  	v0 =	vadd.s32 $0x1FF, v0  }
0xb4: {  	v2 =	vshll.u32 v0, $0x3  }
0xb5: {  	v0 =	vand.u32 $0x7F, v0;
	v2 =	vand.u32 $0xC00, v2  }
0xb6: {  	v0 =	vor.u32 v2, v0  }
0xb7: {  	v0 =	vor.u32 v3, v0;
	_ =	sdelay $0x4  }
0xb8: {  	v0 =	vld.idx.msk [tilespmem:v0+s14+$0x0], $0xffff;
	_ =	sdelay $0x4  }
0xb9: {  	[tilespmem:$0x182D0] =	vst v0  }
0xba: {  	v0 =	vld.idx.msk [tilespmem:v18+s2+$0x0], $0xffff;
	_ =	sdelay $0x4  }
0xbb: {  	v0 =	vadd.s32 $0x1FF, v0  }
0xbc: {  	v2 =	vshll.u32 v0, $0x3  }
0xbd: {  	v0 =	vand.u32 $0x7F, v0;
	v2 =	vand.u32 $0xC00, v2  }
0xbe: {  	v0 =	vor.u32 v2, v0  }
0xbf: {  	v0 =	vor.u32 v5, v0;
	_ =	sdelay $0x4  }
0xc0: {  	v0 =	vld.idx.msk [tilespmem:v0+s14+$0x0], $0xffff;
	_ =	sdelay $0x4  }
0xc1: {  	[tilespmem:$0x182E0] =	vst v0  }
0xc2: {  	v0 =	vld.idx.msk [tilespmem:v19+s2+$0x0], $0xffff;
	_ =	sdelay $0x4  }
0xc3: {  	v0 =	vadd.s32 $0x1FF, v0  }
0xc4: {  	v2 =	vshll.u32 v0, $0x3  }
0xc5: {  	v0 =	vand.u32 $0x7F, v0;
	v2 =	vand.u32 $0xC00, v2  }
0xc6: {  	v0 =	vor.u32 v2, v0  }
0xc7: {  	v0 =	vor.u32 v7, v0;
	_ =	sdelay $0x4  }
0xc8: {  	v0 =	vld.idx.msk [tilespmem:v0+s14+$0x0], $0xffff;
	_ =	sdelay $0x4  }
0xc9: {  	[tilespmem:$0x182F0] =	vst v0  }
0xca: {  	[tilespmem:s14], [sflag:$0x1] =	stream.linear.gather [hbm4b:s10+s2], $0x8000, $0x38;
	[tilespmem:$0x18480] =	vst v63  }
0xcb: {  	_ =	swait.ge [sflag:s18], $0x8000  }
0xcc: {  	[sflag:s18] =	ssyncset.done $0x0  }
0xcd: {  	[sflag:s18] =	ssyncadd.s32 $0xFFFF8000  }
0xce: {  	v0 =	vld.idx.msk [tilespmem:v20+s2+$0x0], $0xffff;
	_ =	sdelay $0x4  }
0xcf: {  	v0 =	vadd.s32 $0x1FF, v0  }
0xd0: {  	v2 =	vshll.u32 v0, $0x3  }
0xd1: {  	v0 =	vand.u32 $0x7F, v0;
	v2 =	vand.u32 $0xC00, v2  }
0xd2: {  	v0 =	vor.u32 v2, v0  }
0xd3: {  	v0 =	vor.u32 v1, v0;
	_ =	sdelay $0x4  }
0xd4: {  	v0 =	vld.idx.msk [tilespmem:v0+s15+$0x0], $0xffff;
	_ =	sdelay $0x4  }
0xd5: {  	[tilespmem:$0x18300] =	vst v0  }
0xd6: {  	v0 =	vld.idx.msk [tilespmem:v21+s2+$0x0], $0xffff;
	_ =	sdelay $0x4  }
0xd7: {  	v0 =	vadd.s32 $0x1FF, v0  }
0xd8: {  	v2 =	vshll.u32 v0, $0x3  }
0xd9: {  	v0 =	vand.u32 $0x7F, v0;
	v2 =	vand.u32 $0xC00, v2  }
0xda: {  	v0 =	vor.u32 v2, v0  }
0xdb: {  	v0 =	vor.u32 v3, v0;
	_ =	sdelay $0x4  }
0xdc: {  	v0 =	vld.idx.msk [tilespmem:v0+s15+$0x0], $0xffff;
	_ =	sdelay $0x4  }
0xdd: {  	[tilespmem:$0x18310] =	vst v0  }
0xde: {  	v0 =	vld.idx.msk [tilespmem:v22+s2+$0x0], $0xffff;
	_ =	sdelay $0x4  }
0xdf: {  	v0 =	vadd.s32 $0x1FF, v0  }
0xe0: {  	v2 =	vshll.u32 v0, $0x3  }
0xe1: {  	v0 =	vand.u32 $0x7F, v0;
	v2 =	vand.u32 $0xC00, v2  }
0xe2: {  	v0 =	vor.u32 v2, v0  }
0xe3: {  	v0 =	vor.u32 v5, v0;
	_ =	sdelay $0x4  }
0xe4: {  	v0 =	vld.idx.msk [tilespmem:v0+s15+$0x0], $0xffff;
	_ =	sdelay $0x4  }
0xe5: {  	[tilespmem:$0x18320] =	vst v0  }
0xe6: {  	v0 =	vld.idx.msk [tilespmem:v23+s2+$0x0], $0xffff;
	_ =	sdelay $0x4  }
0xe7: {  	v0 =	vadd.s32 $0x1FF, v0  }
0xe8: {  	v2 =	vshll.u32 v0, $0x3  }
0xe9: {  	v0 =	vand.u32 $0x7F, v0;
	v2 =	vand.u32 $0xC00, v2  }
0xea: {  	v0 =	vor.u32 v2, v0  }
0xeb: {  	v0 =	vor.u32 v7, v0;
	_ =	sdelay $0x4  }
0xec: {  	v0 =	vld.idx.msk [tilespmem:v0+s15+$0x0], $0xffff;
	_ =	sdelay $0x4  }
0xed: {  	[tilespmem:$0x18330] =	vst v0  }
0xee: {  	[tilespmem:s15], [sflag:$0x1] =	stream.linear.gather [hbm4b:s11+s2], $0x8000, $0x38;
	[tilespmem:$0x18480] =	vst v63  }
0xef: {  	_ =	swait.ge [sflag:s18], $0x8000  }
0xf0: {  	[sflag:s18] =	ssyncset.done $0x0  }
0xf1: {  	[sflag:s18] =	ssyncadd.s32 $0xFFFF8000  }
0xf2: {  	v0 =	vld.idx.msk [tilespmem:v24+s2+$0x0], $0xffff;
	_ =	sdelay $0x4  }
0xf3: {  	v0 =	vadd.s32 $0x1FF, v0  }
0xf4: {  	v2 =	vshll.u32 v0, $0x3  }
0xf5: {  	v0 =	vand.u32 $0x7F, v0;
	v2 =	vand.u32 $0xC00, v2  }
0xf6: {  	v0 =	vor.u32 v2, v0  }
0xf7: {  	v0 =	vor.u32 v1, v0;
	_ =	sdelay $0x4  }
0xf8: {  	v0 =	vld.idx.msk [tilespmem:v0+s17+$0x0], $0xffff;
	_ =	sdelay $0x4  }
0xf9: {  	[tilespmem:$0x18340] =	vst v0  }
0xfa: {  	v0 =	vld.idx.msk [tilespmem:v25+s2+$0x0], $0xffff;
	_ =	sdelay $0x4  }
0xfb: {  	v0 =	vadd.s32 $0x1FF, v0  }
0xfc: {  	v2 =	vshll.u32 v0, $0x3  }
0xfd: {  	v0 =	vand.u32 $0x7F, v0;
	v2 =	vand.u32 $0xC00, v2  }
0xfe: {  	v0 =	vor.u32 v2, v0  }
0xff: {  	v0 =	vor.u32 v3, v0;
	_ =	sdelay $0x4  }
0x100: {  	v0 =	vld.idx.msk [tilespmem:v0+s17+$0x0], $0xffff;
	_ =	sdelay $0x4  }
0x101: {  	[tilespmem:$0x18350] =	vst v0  }
0x102: {  	v0 =	vld.idx.msk [tilespmem:v26+s2+$0x0], $0xffff;
	_ =	sdelay $0x4  }
0x103: {  	v0 =	vadd.s32 $0x1FF, v0  }
0x104: {  	v2 =	vshll.u32 v0, $0x3  }
0x105: {  	v0 =	vand.u32 $0x7F, v0;
	v2 =	vand.u32 $0xC00, v2  }
0x106: {  	v0 =	vor.u32 v2, v0  }
0x107: {  	v0 =	vor.u32 v5, v0;
	_ =	sdelay $0x4  }
0x108: {  	v0 =	vld.idx.msk [tilespmem:v0+s17+$0x0], $0xffff;
	_ =	sdelay $0x4  }
0x109: {  	[tilespmem:$0x18360] =	vst v0  }
0x10a: {  	v0 =	vld.idx.msk [tilespmem:v27+s2+$0x0], $0xffff;
	_ =	sdelay $0x4  }
0x10b: {  	v0 =	vadd.s32 $0x1FF, v0  }
0x10c: {  	v2 =	vshll.u32 v0, $0x3  }
0x10d: {  	v0 =	vand.u32 $0x7F, v0;
	v2 =	vand.u32 $0xC00, v2  }
0x10e: {  	v0 =	vor.u32 v2, v0  }
0x10f: {  	v0 =	vor.u32 v7, v0;
	_ =	sdelay $0x4  }
0x110: {  	v0 =	vld.idx.msk [tilespmem:v0+s17+$0x0], $0xffff;
	_ =	sdelay $0x4  }
0x111: {  	[tilespmem:$0x18370] =	vst v0  }
0x112: {  	_ =	swait.ge [sflag:s18], $0x8000  }
0x113: {  	[sflag:s18] =	ssyncset.done $0x0  }
0x114: {  	[sflag:s18] =	ssyncadd.s32 $0xFFFF8000  }
0x115: {  	v0 =	vld.idx.msk [tilespmem:v28+s2+$0x0], $0xffff;
	_ =	sdelay $0x4  }
0x116: {  	v0 =	vadd.s32 $0x1FF, v0  }
0x117: {  	v2 =	vshll.u32 v0, $0x3  }
0x118: {  	v0 =	vand.u32 $0x7F, v0;
	v2 =	vand.u32 $0xC00, v2  }
0x119: {  	v0 =	vor.u32 v2, v0  }
0x11a: {  	v0 =	vor.u32 v1, v0;
	_ =	sdelay $0x4  }
0x11b: {  	v0 =	vld.idx.msk [tilespmem:v0+s14+$0x0], $0xffff;
	_ =	sdelay $0x4  }
0x11c: {  	[tilespmem:$0x18380] =	vst v0  }
0x11d: {  	v0 =	vld.idx.msk [tilespmem:v29+s2+$0x0], $0xffff;
	_ =	sdelay $0x4  }
0x11e: {  	v0 =	vadd.s32 $0x1FF, v0  }
0x11f: {  	v2 =	vshll.u32 v0, $0x3  }
0x120: {  	v0 =	vand.u32 $0x7F, v0;
	v2 =	vand.u32 $0xC00, v2  }
0x121: {  	v0 =	vor.u32 v2, v0  }
0x122: {  	v0 =	vor.u32 v3, v0;
	_ =	sdelay $0x4  }
0x123: {  	v0 =	vld.idx.msk [tilespmem:v0+s14+$0x0], $0xffff;
	_ =	sdelay $0x4  }
0x124: {  	[tilespmem:$0x18390] =	vst v0  }
0x125: {  	v0 =	vld.idx.msk [tilespmem:v30+s2+$0x0], $0xffff;
	_ =	sdelay $0x4  }
0x126: {  	v0 =	vadd.s32 $0x1FF, v0  }
0x127: {  	v2 =	vshll.u32 v0, $0x3  }
0x128: {  	v0 =	vand.u32 $0x7F, v0;
	v2 =	vand.u32 $0xC00, v2  }
0x129: {  	v0 =	vor.u32 v2, v0  }
0x12a: {  	v0 =	vor.u32 v5, v0;
	_ =	sdelay $0x4  }
0x12b: {  	v0 =	vld.idx.msk [tilespmem:v0+s14+$0x0], $0xffff;
	_ =	sdelay $0x4  }
0x12c: {  	[tilespmem:$0x183A0] =	vst v0  }
0x12d: {  	v0 =	vld.idx.msk [tilespmem:v31+s2+$0x0], $0xffff;
	_ =	sdelay $0x4  }
0x12e: {  	v0 =	vadd.s32 $0x1FF, v0  }
0x12f: {  	v2 =	vshll.u32 v0, $0x3  }
0x130: {  	v0 =	vand.u32 $0x7F, v0;
	v2 =	vand.u32 $0xC00, v2  }
0x131: {  	v0 =	vor.u32 v2, v0  }
0x132: {  	v0 =	vor.u32 v7, v0;
	_ =	sdelay $0x4  }
0x133: {  	v0 =	vld.idx.msk [tilespmem:v0+s14+$0x0], $0xffff;
	_ =	sdelay $0x4  }
0x134: {  	[tilespmem:$0x183B0] =	vst v0  }
0x135: {  	_ =	swait.ge [sflag:s18], $0x8000  }
0x136: {  	[sflag:s18] =	ssyncset.done $0x0  }
0x137: {  	[sflag:s18] =	ssyncadd.s32 $0xFFFF8000  }
0x138: {  	v0 =	vld.idx.msk [tilespmem:v32+s2+$0x0], $0xffff;
	_ =	sdelay $0x4  }
0x139: {  	v0 =	vadd.s32 $0x1FF, v0  }
0x13a: {  	v2 =	vshll.u32 v0, $0x3  }
0x13b: {  	v0 =	vand.u32 $0x7F, v0;
	v2 =	vand.u32 $0xC00, v2  }
0x13c: {  	v0 =	vor.u32 v2, v0  }
0x13d: {  	v0 =	vor.u32 v1, v0;
	_ =	sdelay $0x4  }
0x13e: {  	v0 =	vld.idx.msk [tilespmem:v0+s15+$0x0], $0xffff;
	_ =	sdelay $0x4  }
0x13f: {  	[tilespmem:$0x183C0] =	vst v0  }
0x140: {  	v0 =	vld.idx.msk [tilespmem:v34+s2+$0x0], $0xffff;
	_ =	sdelay $0x4  }
0x141: {  	v0 =	vadd.s32 $0x1FF, v0  }
0x142: {  	v2 =	vshll.u32 v0, $0x3  }
0x143: {  	v0 =	vand.u32 $0x7F, v0;
	v2 =	vand.u32 $0xC00, v2  }
0x144: {  	v0 =	vor.u32 v2, v0  }
0x145: {  	v0 =	vor.u32 v3, v0;
	_ =	sdelay $0x4  }
0x146: {  	v0 =	vld.idx.msk [tilespmem:v0+s15+$0x0], $0xffff;
	_ =	sdelay $0x4  }
0x147: {  	[tilespmem:$0x183D0] =	vst v0  }
0x148: {  	v0 =	vld.idx.msk [tilespmem:v35+s2+$0x0], $0xffff;
	_ =	sdelay $0x4  }
0x149: {  	v0 =	vadd.s32 $0x1FF, v0  }
0x14a: {  	v2 =	vshll.u32 v0, $0x3  }
0x14b: {  	v0 =	vand.u32 $0x7F, v0;
	v2 =	vand.u32 $0xC00, v2  }
0x14c: {  	v0 =	vor.u32 v2, v0  }
0x14d: {  	v0 =	vor.u32 v5, v0;
	_ =	sdelay $0x4  }
0x14e: {  	v0 =	vld.idx.msk [tilespmem:v0+s15+$0x0], $0xffff;
	_ =	sdelay $0x4  }
0x14f: {  	[tilespmem:$0x183E0] =	vst v0  }
0x150: {  	v0 =	vld.idx.msk [tilespmem:v36+s2+$0x0], $0xffff;
	_ =	sdelay $0x4  }
0x151: {  	v0 =	vadd.s32 $0x1FF, v0  }
0x152: {  	v2 =	vshll.u32 v0, $0x3  }
0x153: {  	v0 =	vand.u32 $0x7F, v0;
	v2 =	vand.u32 $0xC00, v2  }
0x154: {  	v0 =	vor.u32 v2, v0  }
0x155: {  	v0 =	vor.u32 v7, v0;
	_ =	sdelay $0x4  }
0x156: {  	v0 =	vld.idx.msk [tilespmem:v0+s15+$0x0], $0xffff;
	_ =	sdelay $0x4  }
0x157: {  	[tilespmem:$0x183F0] =	vst v0  }
0x158: {  	v0 =	vld.idx.msk [tilespmem:v33+s19+$0x0], $0xffff  }
0x159: {  	v2 =	vld.idx.msk [tilespmem:v37+s19+$0x0], $0xffff;
	_ =	sdelay $0x1  }
0x15a: {  	v4 =	vld.idx.msk [tilespmem:v38+s19+$0x0], $0xffff;
	_ =	sdelay $0x1  }
0x15b: {  	v6 =	vld.idx.msk [tilespmem:v39+s19+$0x0], $0xffff  }
0x15c: {  	v8 =	vld.idx.msk [tilespmem:v40+s19+$0x0], $0xffff;
	v0 =	vsub.f32 $1.000000000e+00, v0;
	v2 =	vsub.f32 $1.000000000e+00, v2  }
0x15d: {  	v9 =	vld.idx.msk [tilespmem:v41+s19+$0x0], $0xffff  }
0x15e: {  	v10 =	vld.idx.msk [tilespmem:v44+s19+$0x0], $0xffff;
	v4 =	vsub.f32 $1.000000000e+00, v4;
	v0 =	vmax.f32 v0, $0.0e+00;
	v2 =	vmax.f32 v2, $0.0e+00  }
0x15f: {  	v12 =	vld.idx.msk [tilespmem:v46+s19+$0x0], $0xffff;
	v0 =	vadd.f32 v2, v0  }
0x160: {  	v6 =	vsub.f32 $1.000000000e+00, v6;
	v4 =	vmax.f32 v4, $0.0e+00;
	v2 =	vld.idx.msk [tilespmem:v42+s19+$0x0], $0xffff  }
0x161: {  	v8 =	vsub.f32 $1.000000000e+00, v8;
	v0 =	vadd.f32 v4, v0;
	v4 =	vld.idx.msk [tilespmem:v45+s19+$0x0], $0xffff  }
0x162: {  	v6 =	vmax.f32 v6, $0.0e+00  }
0x163: {  	v0 =	vadd.f32 v6, v0;
	v6 =	vmax.f32 v8, $0.0e+00;
	v8 =	vsub.f32 $1.000000000e+00, v9  }
0x164: {  	v9 =	vadd.f32 $1.000000000e+00, v12  }
0x165: {  	v13 =	vld.idx.msk [tilespmem:v47+s19+$0x0], $0xffff;
	v0 =	vadd.f32 v6, v0;
	v6 =	vmax.f32 v8, $0.0e+00;
	v8 =	vadd.f32 $1.000000000e+00, v10  }
0x166: {  	v2 =	vsub.f32 $1.000000000e+00, v2;
	v4 =	vadd.f32 $1.000000000e+00, v4  }
0x167: {  	v9 =	vmax.f32 v9, $0.0e+00;
	v0 =	vadd.f32 v6, v0;
	v6 =	vmax.f32 v8, $0.0e+00  }
0x168: {  	v2 =	vmax.f32 v2, $0.0e+00;
	v4 =	vmax.f32 v4, $0.0e+00;
	v8 =	vclamp.gez.f32 v6, $0.0e+00  }
0x169: {  	v11 =	vmin.f32 v6, v4;
	v0 =	vadd.f32 v2, v0;
	v2 =	vmax.f32 v6, v4;
	v6 =	vld.idx.msk [tilespmem:v48+s19+$0x0], $0xffff  }
0x16a: {  	v10 =	vadd.f32 $1.000000000e+00, v13;
	v4 =	vmax.f32 v8, v11;
	v11 =	vmin.f32 v8, v11  }
0x16b: {  	v8 =	vmax.f32 v8, v11;
	v11 =	vmax.f32 v2, v9;
	v2 =	vmin.f32 v2, v9;
	v9 =	vld.idx.msk [tilespmem:v49+s19+$0x0], $0xffff  }
0x16c: {  	v12 =	vmax.f32 v4, v2;
	v2 =	vmin.f32 v4, v2;
	v4 =	vmax.f32 v10, $0.0e+00  }
0x16d: {  	v10 =	vmax.f32 v8, v2;
	v2 =	vmin.f32 v8, v2;
	v13 =	vmin.f32 v11, v4  }
0x16e: {  	v2 =	vmax.f32 v8, v2;
	v8 =	vmin.f32 v12, v13;
	v6 =	vadd.f32 $1.000000000e+00, v6  }
0x16f: {  	v4 =	vmax.f32 v11, v4;
	v11 =	vmax.f32 v12, v13;
	v13 =	vld.idx.msk [tilespmem:v50+s19+$0x0], $0xffff;
	v12 =	vmax.f32 v10, v8  }
0x170: {  	v8 =	vmin.f32 v10, v8;
	v6 =	vmax.f32 v6, $0.0e+00;
	v9 =	vadd.f32 $1.000000000e+00, v9  }
0x171: {  	v2 =	vmax.f32 v2, v8;
	v8 =	vmax.f32 v4, v6;
	v4 =	vmin.f32 v4, v6;
	v6 =	vld.idx.msk [tilespmem:v51+s19+$0x0], $0xffff  }
0x172: {  	v10 =	vmax.f32 v11, v4;
	v4 =	vmin.f32 v11, v4;
	v9 =	vmax.f32 v9, $0.0e+00  }
0x173: {  	v11 =	vmax.f32 v12, v4;
	v4 =	vmin.f32 v12, v4;
	v12 =	vmin.f32 v8, v9  }
0x174: {  	v13 =	vadd.f32 $1.000000000e+00, v13;
	v2 =	vmax.f32 v2, v4;
	v4 =	vmin.f32 v10, v12  }
0x175: {  	v8 =	vmax.f32 v8, v9;
	v9 =	vmax.f32 v10, v12;
	v12 =	vld.idx.msk [tilespmem:v52+s19+$0x0], $0xffff;
	v10 =	vmax.f32 v11, v4  }
0x176: {  	v4 =	vmin.f32 v11, v4;
	v14 =	vmax.f32 v13, $0.0e+00;
	v11 =	vld.idx.msk [tilespmem:v53+s19+$0x0], $0xffff;
	v6 =	vadd.f32 $1.000000000e+00, v6  }
0x177: {  	v2 =	vmax.f32 v2, v4;
	v4 =	vmax.f32 v8, v14;
	v8 =	vmin.f32 v8, v14  }
0x178: {  	v13 =	vmax.f32 v9, v8;
	v8 =	vmin.f32 v9, v8;
	v6 =	vmax.f32 v6, $0.0e+00  }
0x179: {  	v9 =	vmax.f32 v10, v8;
	v8 =	vmin.f32 v10, v8;
	v10 =	vmin.f32 v4, v6  }
0x17a: {  	v2 =	vmax.f32 v2, v8;
	v12 =	vadd.f32 $1.000000000e+00, v12;
	v4 =	vmax.f32 v4, v6  }
0x17b: {  	v8 =	vmin.f32 v13, v10;
	v6 =	vmax.f32 v13, v10;
	v13 =	vld.idx.msk [tilespmem:v54+s19+$0x0], $0xffff;
	v11 =	vadd.f32 $1.000000000e+00, v11  }
0x17c: {  	v10 =	vmax.f32 v9, v8;
	v8 =	vmin.f32 v9, v8;
	v12 =	vmax.f32 v12, $0.0e+00  }
0x17d: {  	v9 =	vld.idx.msk [tilespmem:v55+s19+$0x0], $0xffff;
	v2 =	vmax.f32 v2, v8;
	v8 =	vmax.f32 v4, v12;
	v4 =	vmin.f32 v4, v12  }
0x17e: {  	v12 =	vmax.f32 v6, v4;
	v4 =	vmin.f32 v6, v4;
	v6 =	vmax.f32 v11, $0.0e+00  }
0x17f: {  	v11 =	vmax.f32 v10, v4;
	v4 =	vmin.f32 v10, v4;
	v10 =	vmin.f32 v8, v6  }
0x180: {  	v2 =	vmax.f32 v2, v4;
	v4 =	vmin.f32 v12, v10;
	v13 =	vadd.f32 $1.000000000e+00, v13  }
0x181: {  	v6 =	vmax.f32 v8, v6;
	v8 =	vmax.f32 v12, v10;
	v12 =	vld.idx.msk [tilespmem:v56+s19+$0x0], $0xffff;
	v10 =	vmax.f32 v11, v4  }
0x182: {  	v4 =	vmin.f32 v11, v4;
	v9 =	vadd.f32 $1.000000000e+00, v9;
	v11 =	vld.idx.msk [tilespmem:v57+s19+$0x0], $0xffff;
	v14 =	vmax.f32 v13, $0.0e+00  }
0x183: {  	v2 =	vmax.f32 v2, v4;
	v4 =	vmax.f32 v6, v14;
	v6 =	vmin.f32 v6, v14  }
0x184: {  	v13 =	vmax.f32 v8, v6;
	v6 =	vmin.f32 v8, v6;
	v8 =	vmax.f32 v9, $0.0e+00  }
0x185: {  	v9 =	vmax.f32 v10, v6;
	v6 =	vmin.f32 v10, v6;
	v10 =	vmin.f32 v4, v8  }
0x186: {  	v12 =	vadd.f32 $1.000000000e+00, v12;
	v4 =	vmax.f32 v4, v8;
	v2 =	vmax.f32 v2, v6  }
0x187: {  	v6 =	vmin.f32 v13, v10;
	v8 =	vmax.f32 v13, v10;
	v13 =	vld.idx.msk [tilespmem:v58+s19+$0x0], $0xffff;
	v11 =	vadd.f32 $1.000000000e+00, v11  }
0x188: {  	v10 =	vmax.f32 v9, v6;
	v6 =	vmin.f32 v9, v6;
	v12 =	vmax.f32 v12, $0.0e+00  }
0x189: {  	v9 =	vld.idx.msk [tilespmem:v59+s19+$0x0], $0xffff;
	v2 =	vmax.f32 v2, v6;
	v6 =	vmax.f32 v4, v12;
	v4 =	vmin.f32 v4, v12  }
0x18a: {  	v12 =	vmax.f32 v8, v4;
	v4 =	vmin.f32 v8, v4;
	v8 =	vmax.f32 v11, $0.0e+00  }
0x18b: {  	v11 =	vmax.f32 v10, v4;
	v4 =	vmin.f32 v10, v4;
	v10 =	vmin.f32 v6, v8  }
0x18c: {  	v2 =	vmax.f32 v2, v4;
	v4 =	vmin.f32 v12, v10;
	v13 =	vadd.f32 $1.000000000e+00, v13  }
0x18d: {  	v6 =	vmax.f32 v6, v8;
	v8 =	vmax.f32 v12, v10;
	v12 =	vld.idx.msk [tilespmem:v60+s19+$0x0], $0xffff;
	v10 =	vmax.f32 v11, v4  }
0x18e: {  	v4 =	vmin.f32 v11, v4;
	v9 =	vadd.f32 $1.000000000e+00, v9;
	v13 =	vmax.f32 v13, $0.0e+00  }
0x18f: {  	v2 =	vmax.f32 v2, v4;
	v4 =	vmax.f32 v6, v13;
	v6 =	vmin.f32 v6, v13  }
0x190: {  	v11 =	vmax.f32 v8, v6;
	v6 =	vmin.f32 v8, v6;
	v8 =	vmax.f32 v9, $0.0e+00;
	v9 =	vld.idx.msk [tilespmem:v61+s19+$0x0], $0xffff  }
0x191: {  	v13 =	vmax.f32 v10, v6;
	v6 =	vmin.f32 v10, v6;
	v10 =	vmin.f32 v4, v8  }
0x192: {  	v12 =	vadd.f32 $1.000000000e+00, v12;
	v2 =	vmax.f32 v2, v6;
	v6 =	vmin.f32 v11, v10  }
0x193: {  	v4 =	vmax.f32 v4, v8;
	v8 =	vmax.f32 v11, v10;
	v14 =	vmin.f32 v13, v6  }
0x194: {  	v11 =	vld.idx.msk [tilespmem:v62+s19+$0x0], $0xffff;
	v6 =	vmax.f32 v13, v6;
	v10 =	vmax.f32 v12, $0.0e+00;
	v13 =	vor.u32 $0x1C, v33  }
0x195: {  	v2 =	vmax.f32 v2, v14;
	v12 =	vmin.f32 v4, v10;
	v9 =	vadd.f32 $1.000000000e+00, v9  }
0x196: {  	v4 =	vmax.f32 v4, v10;
	v10 =	vmax.f32 v8, v12;
	v8 =	vmin.f32 v8, v12  }
0x197: {  	v12 =	vmax.f32 v6, v8;
	v6 =	vmin.f32 v6, v8;
	v8 =	vmax.f32 v9, $0.0e+00;
	v9 =	vld.idx.msk [tilespmem:v63+s19+$0x0], $0xffff  }
0x198: {  	v14 =	vor.u32 $0x1D, v33;
	v2 =	vmax.f32 v2, v6;
	v6 =	vmin.f32 v4, v8  }
0x199: {  	v11 =	vadd.f32 $1.000000000e+00, v11;
	v4 =	vmax.f32 v4, v8;
	v8 =	vmin.f32 v10, v6  }
0x19a: {  	v6 =	vmax.f32 v10, v6;
	v10 =	vmax.f32 v12, v8;
	v8 =	vmin.f32 v12, v8;
	v12 =	vld.idx.msk [tilespmem:v13+s19+$0x0], $0xffff  }
0x19b: {  	v2 =	vmax.f32 v2, v8;
	v8 =	vmax.f32 v11, $0.0e+00;
	v11 =	vor.u32 $0x1E, v33  }
0x19c: {  	v13 =	vmax.f32 v4, v8;
	v4 =	vmin.f32 v4, v8;
	v8 =	vadd.f32 $1.000000000e+00, v9  }
0x19d: {  	v9 =	vmax.f32 v6, v4;
	v4 =	vmin.f32 v6, v4;
	v6 =	vld.idx.msk [tilespmem:v14+s19+$0x0], $0xffff;
	v14 =	vor.u32 $0x1F, v33  }
0x19e: {  	v15 =	vmax.f32 v10, v4;
	v4 =	vmin.f32 v10, v4;
	v8 =	vmax.f32 v8, $0.0e+00  }
0x19f: {  	v2 =	vmax.f32 v2, v4;
	v4 =	vmin.f32 v13, v8;
	v10 =	vadd.f32 $1.000000000e+00, v12  }
0x1a0: {  	v8 =	vmax.f32 v13, v8;
	v12 =	vmax.f32 v9, v4;
	v4 =	vmin.f32 v9, v4;
	v9 =	vld.idx.msk [tilespmem:v11+s19+$0x0], $0xffff  }
0x1a1: {  	v11 =	vmax.f32 v15, v4;
	v4 =	vmin.f32 v15, v4;
	v10 =	vmax.f32 v10, $0.0e+00  }
0x1a2: {  	v2 =	vmax.f32 v2, v4;
	v4 =	vmin.f32 v8, v10;
	v6 =	vadd.f32 $1.000000000e+00, v6;
	v13 =	vld.idx.msk [tilespmem:v14+s19+$0x0], $0xffff  }
0x1a3: {  	v8 =	vmax.f32 v8, v10;
	v10 =	vmax.f32 v12, v4;
	v4 =	vmin.f32 v12, v4  }
0x1a4: {  	v12 =	vmax.f32 v11, v4;
	v4 =	vmin.f32 v11, v4;
	v6 =	vmax.f32 v6, $0.0e+00  }
0x1a5: {  	v2 =	vmax.f32 v2, v4;
	v4 =	vmin.f32 v8, v6;
	v9 =	vadd.f32 $1.000000000e+00, v9  }
0x1a6: {  	v6 =	vmax.f32 v8, v6;
	v8 =	vmax.f32 v10, v4;
	v4 =	vmin.f32 v10, v4  }
0x1a7: {  	v10 =	vmin.f32 v12, v4;
	v9 =	vmax.f32 v9, $0.0e+00;
	v11 =	vadd.f32 $1.000000000e+00, v13  }
0x1a8: {  	v13 =	vld.idx.msk [tilespmem:v43+s19+$0x0], $0xffff;
	v4 =	vmax.f32 v12, v4;
	v2 =	vmax.f32 v2, v10;
	v12 =	vmin.f32 v6, v9  }
0x1a9: {  	v6 =	vmax.f32 v6, v9;
	v9 =	vmin.f32 v8, v12;
	v11 =	vmax.f32 v11, $0.0e+00  }
0x1aa: {  	v8 =	vmax.f32 v8, v12;
	v10 =	vmin.f32 v4, v9;
	v12 =	vmin.f32 v6, v11  }
0x1ab: {  	v4 =	vmax.f32 v4, v9;
	v6 =	vmax.f32 v6, v11;
	v14 =	vmin.f32 v8, v12  }
0x1ac: {  	v2 =	vmax.f32 v2, v10;
	v8 =	vmax.f32 v8, v12;
	v12 =	vmin.f32 v4, v14  }
0x1ad: {  	v4 =	vmax.f32 v4, v14;
	v14 =	vsub.f32 $1.000000000e+00, v13;
	v2 =	vmax.f32 v2, v12  }
0x1ae: {  	v6 =	vadd.f32 v8, v6;
	v2 =	vadd.f32 v2, v4  }
0x1af: {  	v4 =	vmax.f32 v14, $0.0e+00  }
0x1b0: {  	v0 =	vadd.f32 v4, v0;
	v2 =	vadd.f32 v2, v6;
	_ =	sdelay $0x1  }
0x1b1: {  	v0 =	vadd.f32 v2, v0  }
0x1b2: {  	p0 =	sne.s32 s13, $0x1  }
.Ltmp0:
0x1b3: {  	[tilespmem:$0x18400] =	vst v0;
	(pc) =	sbr.rel @p0 .LBB2_1-.Ltmp0, $4  }
0x1b4: {  	[hbm4b:s12+s2] =	stream.linear.scatter [tilespmem:s20], [sflag:$0x2], $0x80, $0x38;
	[tilespmem:$0x18480] =	vst v63  }
0x1b5: {  	_ =	swait.ge [sflag:s16], $0x80  }
0x1b6: {  	[sflag:s16] =	ssyncset.done $0x0  }
0x1b7: {  	s13 =	sadd.s32 $0xFFFFFFFF, s13;
	[sflag:s16] =	ssyncadd.s32 $0xFFFFFF80  }
0x1b8: {  	_ =	sfence.sel $0x180000  }
0x1b9: {  	[bflag:$0x0] =	sbarrier.arrive $0xFFFF  }
0x1ba: {  	p0 =	sne.s32 s1, $0x0;
	_ =	strace $0x90000047  }
0x1bb: {  	s0 =	sadd.s32 @!p0 $0x100000, s0;
	[bflag:$0x2] =	sbarrier.arrive $0xFFFF  }
0x1bc: {  	[sflag:s0] =	ssyncadd.tile.s32 @!p0 $0x1;
	_ =	shalt  }
.Lfunc_end2:
_tile_overlayer_lowered:
.L_overlay_start_2:
0x1bd: {  	(tag) =	ssettag $0x2  }
0x1be: {  	s0 =	rddreg [dreg:$0x0];
	s2 =	stileid.u32  }
0x1bf: {  	s1 =	rddreg [dreg:$0x1];
	p0 =	sne.s32 s2, $0x0  }
0x1c0: {  	s3 =	rddreg [dreg:$0x2];
	[bflag:$0x3] =	sbarrier.arrive $0xFFFF;
	s2 =	simm.s32 @!p0 $0x1C02  }
0x1c1: {  	[timem:s3], [sflag:s2] =	dma.local @!p0 [hbm:s0], s1  }
0x1c2: {  	s0 =	simm.s32 @!p0 $0x2  }
0x1c3: {  	_ =	swait.ge @!p0 [sflag:s0], s1  }
0x1c4: {  	s1 =	ssub.s32 @!p0 $0x0, s1;
	[sflag:s0] =	ssyncset.done @!p0 $0x0  }
0x1c5: {  	[sflag:s0] =	ssyncadd.s32 @!p0 s1  }
0x1c6: {  	[bflag:$0x3] =	sbarrier.arrive $0xFFFF  }
0x1c7: {  	_ =	shalt  }

</sc_bundles>
